<compile_context>
chip_gen: v7x
topology: tpu7x:2x2x1
jax: 0.10.2.dev20260603
libtpu: 0.0.44.dev20260713+nightly
codegen_flags: <defaults>
</compile_context>

<pallas_src>
import functools

import jax
import jax.numpy as jnp
from jax import lax
from jax.experimental import pallas as pl
from jax.experimental.pallas import tpu as pltpu
from jax.experimental.pallas import tpu_sc as plsc

_NC = 2
_NS = 16
_NW = _NC * _NS
_C = 64
_NBUF = 12


@functools.lru_cache(maxsize=None)
def _make_gather(b: int, l: int, dim: int):
    mesh = plsc.VectorSubcoreMesh(
        core_axis_name="c", subcore_axis_name="s", num_cores=_NC
    )
    kb = b // _C
    n_chunks = l * kb // _NW

    @functools.partial(
        pl.kernel,
        mesh=mesh,
        out_type=jax.ShapeDtypeStruct((l, b, dim), jnp.float32),
        scratch_types=[
            pltpu.VMEM((n_chunks, _C), jnp.int32),
            pltpu.VMEM((_NBUF, _C, dim), jnp.float32),
            pltpu.SemaphoreType.DMA((_NBUF,)),
            pltpu.SemaphoreType.DMA((_NBUF,)),
        ],
    )
    def k(table_hbm, idx_hbm, out_hbm, idx_v, rows_v, gsem, wsem):
        wid = lax.axis_index("s") * _NC + lax.axis_index("c")
        base = wid * n_chunks
        pltpu.sync_copy(idx_hbm.at[wid], idx_v)

        def chunk_out(j):
            c = base + j
            return out_hbm.at[lax.div(c, kb), pl.ds(lax.rem(c, kb) * _C, _C)]

        for u in range(_NBUF - 1):
            pltpu.async_copy(table_hbm.at[idx_v.at[u]], rows_v.at[u], gsem.at[u])

        def body(j, carry):
            bb = lax.rem(j, _NBUF)
            pltpu.make_async_copy(
                table_hbm.at[idx_v.at[j]], rows_v.at[bb], gsem.at[bb]
            ).wait()
            pltpu.async_copy(rows_v.at[bb], chunk_out(j), wsem.at[bb])

            bn = lax.rem(j + _NBUF - 1, _NBUF)

            @pl.when(j + _NBUF - 1 < n_chunks)
            def _():
                @pl.when(j >= 1)
                def _():
                    pltpu.make_async_copy(
                        rows_v.at[bn], chunk_out(j - 1), wsem.at[bn]
                    ).wait()

                pltpu.async_copy(
                    table_hbm.at[idx_v.at[j + _NBUF - 1]],
                    rows_v.at[bn],
                    gsem.at[bn],
                )

            return carry

        lax.fori_loop(0, n_chunks, body, 0)

        for t in range(_NBUF):
            j = n_chunks - _NBUF + t
            pltpu.make_async_copy(
                rows_v.at[j % _NBUF], chunk_out(j), wsem.at[j % _NBUF]
            ).wait()

    return k


def kernel(index, table):
    b, l = index.shape
    dim = table.shape[1]
    assert b % _C == 0 and (l * b // _C) % _NW == 0
    idx_c = jnp.transpose(index).reshape(_NW, l * b // _C // _NW, _C)
    out_p = _make_gather(b, l, dim)(table, idx_c)
    return jnp.transpose(out_p, (1, 0, 2))

# --- scband reference (transcript-rebuilt; emitter-appended) ---
"""Pipeline reference for scband-token2-wcembeddings-35003983462948 (READ-ONLY COPY).

The authoritative reference and input builder live on the scoring server;
editing this copy changes nothing except your own understanding.
"""

import jax, jax.numpy as jnp
import numpy as np

VOCAB = 100000
DIM = 128
B = 1024
L = 500


def setup_inputs(seed: int = 0) -> dict:
    key = jax.random.key(seed)
    k1, k2 = jax.random.split(key)
    # The original forward takes list-of-list-of-str tokens and maps them through
    # WCE_vocab to integer indices (with [UNK] fallback and [PAD] padding).
    # That string->int mapping is pure Python preprocessing; the tensor program
    # starts at the padded index matrix, which we materialize directly.
    index = jax.random.randint(k1, (B, L), 0, VOCAB, dtype=jnp.int32)
    # Pretrained word-class embedding matrix (WCE), vocab rows x DIM dims.
    table = jax.random.normal(k2, (VOCAB, DIM), dtype=jnp.float32) * 0.02
    return {"index": index, "table": table}


def reference(index, table):
    # EmbeddingCustom in eval mode reduces to a plain embedding lookup over the
    # (pretrained + supervised) WCE matrix; embedding dropout is identity at eval.
    return jnp.take(table, index, axis=0)

if __name__ == "__main__":
    import jax
    _d = setup_inputs()
    print(jax.jit(kernel)(*tuple(_d.values())))

</pallas_src>

<mosaic_0001>
#map = affine_map<(d0, d1) -> (0, 0)>
#map1 = affine_map<(d0, d1) -> (0, 0, 0)>
module attributes {stable_mosaic.version = 14 : i64} {
  func.func @k(%arg0: i32, %arg1: i32, %arg2: memref<100000x128xf32, #tpu.memory_space<hbm>>, %arg3: memref<32x250x64xi32, #tpu.memory_space<hbm>>, %arg4: memref<500x1024x128xf32, #tpu.memory_space<hbm>>, %arg5: memref<250x64xi32, #tpu.memory_space<vmem>>, %arg6: memref<12x64x128xf32, #tpu.memory_space<vmem>>, %arg7: memref<12x!tpu.dma_semaphore, #tpu.memory_space<semaphore_mem>>, %arg8: memref<12x!tpu.dma_semaphore, #tpu.memory_space<semaphore_mem>>) attributes {dimension_semantics = [#tpu.dimension_semantics<core_parallel>, #tpu.dimension_semantics<subcore_parallel>], iteration_bounds = array<i64: 2, 16>, scalar_prefetch = 0 : i64, scratch_operands = 4 : i64, tpu.core_type = #tpu.core_type<sc_vector_subcore>, window_params = [{transform_indices = #map}, {transform_indices = #map1}, {transform_indices = #map1}]} {
    %mul3A = arith.constant 2 : i32
    %mul3A_0 = arith.muli %arg1, %mul3A : i32
    %add3A = arith.addi %mul3A_0, %arg0 : i32
    %mul3A_1 = arith.constant 250 : i32
    %mul3A_2 = arith.muli %add3A, %mul3A_1 : i32
    "tpu.region"() ({
      %run_scoped3A = tpu.sem_alloc : memref<!tpu.dma_semaphore, #tpu.memory_space<semaphore_mem>>
      %dma_start3A_481 = arith.constant 0 : i32
      %dma_start3A_482 = arith.constant 0 : i32
      %dma_start3A_483 = tpu.memref_slice %arg3[%add3A, %dma_start3A_481, %dma_start3A_482] : memref<32x250x64xi32, #tpu.memory_space<hbm>> -> memref<1x250x64xi32, #tpu.memory_space<hbm>>
      %dma_start3A_484 = tpu.memref_squeeze %dma_start3A_483 : memref<1x250x64xi32, #tpu.memory_space<hbm>> -> memref<250x64xi32, #tpu.memory_space<hbm>>
      %dma_start3A_485 = arith.constant 0 : i32
      %dma_start3A_486 = arith.constant 0 : i32
      %dma_start3A_487 = tpu.memref_slice %arg3[%add3A, %dma_start3A_485, %dma_start3A_486] : memref<32x250x64xi32, #tpu.memory_space<hbm>> -> memref<1x250x64xi32, #tpu.memory_space<hbm>>
      %dma_start3A_488 = tpu.memref_squeeze %dma_start3A_487 : memref<1x250x64xi32, #tpu.memory_space<hbm>> -> memref<250x64xi32, #tpu.memory_space<hbm>>
      tpu.enqueue_dma source(%dma_start3A_488 : memref<250x64xi32, #tpu.memory_space<hbm>>) target(%arg5 : memref<250x64xi32, #tpu.memory_space<vmem>>) target_semaphore(%run_scoped3A : memref<!tpu.dma_semaphore, #tpu.memory_space<semaphore_mem>>)
      %dma_wait3A_489 = arith.constant 0 : i32
      %dma_wait3A_490 = arith.constant 0 : i32
      %dma_wait3A_491 = tpu.memref_slice %arg3[%add3A, %dma_wait3A_489, %dma_wait3A_490] : memref<32x250x64xi32, #tpu.memory_space<hbm>> -> memref<1x250x64xi32, #tpu.memory_space<hbm>>
      %dma_wait3A_492 = tpu.memref_squeeze %dma_wait3A_491 : memref<1x250x64xi32, #tpu.memory_space<hbm>> -> memref<250x64xi32, #tpu.memory_space<hbm>>
      %dma_wait3A_493 = arith.constant 0 : i32
      %dma_wait3A_494 = arith.constant 0 : i32
      %dma_wait3A_495 = tpu.memref_slice %arg3[%add3A, %dma_wait3A_493, %dma_wait3A_494] : memref<32x250x64xi32, #tpu.memory_space<hbm>> -> memref<1x250x64xi32, #tpu.memory_space<hbm>>
      %dma_wait3A_496 = tpu.memref_squeeze %dma_wait3A_495 : memref<1x250x64xi32, #tpu.memory_space<hbm>> -> memref<250x64xi32, #tpu.memory_space<hbm>>
      tpu.wait_dma2 semaphore(%run_scoped3A : memref<!tpu.dma_semaphore, #tpu.memory_space<semaphore_mem>>) src(%dma_wait3A_496 : memref<250x64xi32, #tpu.memory_space<hbm>>) dst(%arg5 : memref<250x64xi32, #tpu.memory_space<vmem>>)
      tpu.yield
    }) : () -> ()
    %dma_start3A = arith.constant 0 : i32
    %dma_start3A_3 = arith.constant 0 : i32
    %dma_start3A_4 = arith.constant 0 : i32
    %dma_start3A_5 = arith.constant 0 : i32
    %dma_start3A_6 = arith.constant 0 : i32
    %dma_start3A_7 = tpu.memref_slice %arg6[%dma_start3A_3, %dma_start3A_5, %dma_start3A_6] : memref<12x64x128xf32, #tpu.memory_space<vmem>> -> memref<1x64x128xf32, #tpu.memory_space<vmem>>
    %dma_start3A_8 = tpu.memref_squeeze %dma_start3A_7 : memref<1x64x128xf32, #tpu.memory_space<vmem>> -> memref<64x128xf32, #tpu.memory_space<vmem>>
    %dma_start3A_9 = arith.constant 0 : i32
    %dma_start3A_10 = tpu.memref_slice %arg5[%dma_start3A, %dma_start3A_9] : memref<250x64xi32, #tpu.memory_space<vmem>> -> memref<1x64xi32, #tpu.memory_space<vmem>>
    %dma_start3A_11 = tpu.memref_squeeze %dma_start3A_10 : memref<1x64xi32, #tpu.memory_space<vmem>> -> memref<64xi32, #tpu.memory_space<vmem>>
    %dma_start3A_12 = arith.constant 0 : i32
    %dma_start3A_13 = arith.constant 0 : i32
    %dma_start3A_14 = tpu.memref_slice %arg2[%dma_start3A_12, %dma_start3A_13] : memref<100000x128xf32, #tpu.memory_space<hbm>> -> memref<100000x128xf32, #tpu.memory_space<hbm>>
    %dma_start3A_15 = tpu.memref_slice %arg7[%dma_start3A_4] : memref<12x!tpu.dma_semaphore, #tpu.memory_space<semaphore_mem>> -> memref<1x!tpu.dma_semaphore, #tpu.memory_space<semaphore_mem>>
    %dma_start3A_16 = tpu.memref_squeeze %dma_start3A_15 : memref<1x!tpu.dma_semaphore, #tpu.memory_space<semaphore_mem>> -> memref<!tpu.dma_semaphore, #tpu.memory_space<semaphore_mem>>
    tpu.enqueue_indirect_dma source(%dma_start3A_14 : memref<100000x128xf32, #tpu.memory_space<hbm>>) target(%dma_start3A_8 : memref<64x128xf32, #tpu.memory_space<vmem>>) offsets(%dma_start3A_11 : memref<64xi32, #tpu.memory_space<vmem>>) semaphore(%dma_start3A_16 : memref<!tpu.dma_semaphore, #tpu.memory_space<semaphore_mem>>)
    %dma_start3A_17 = arith.constant 1 : i32
    %dma_start3A_18 = arith.constant 1 : i32
    %dma_start3A_19 = arith.constant 1 : i32
    %dma_start3A_20 = arith.constant 0 : i32
    %dma_start3A_21 = arith.constant 0 : i32
    %dma_start3A_22 = tpu.memref_slice %arg6[%dma_start3A_18, %dma_start3A_20, %dma_start3A_21] : memref<12x64x128xf32, #tpu.memory_space<vmem>> -> memref<1x64x128xf32, #tpu.memory_space<vmem>>
    %dma_start3A_23 = tpu.memref_squeeze %dma_start3A_22 : memref<1x64x128xf32, #tpu.memory_space<vmem>> -> memref<64x128xf32, #tpu.memory_space<vmem>>
    %dma_start3A_24 = arith.constant 0 : i32
    %dma_start3A_25 = tpu.memref_slice %arg5[%dma_start3A_17, %dma_start3A_24] : memref<250x64xi32, #tpu.memory_space<vmem>> -> memref<1x64xi32, #tpu.memory_space<vmem>>
    %dma_start3A_26 = tpu.memref_squeeze %dma_start3A_25 : memref<1x64xi32, #tpu.memory_space<vmem>> -> memref<64xi32, #tpu.memory_space<vmem>>
    %dma_start3A_27 = arith.constant 0 : i32
    %dma_start3A_28 = arith.constant 0 : i32
    %dma_start3A_29 = tpu.memref_slice %arg2[%dma_start3A_27, %dma_start3A_28] : memref<100000x128xf32, #tpu.memory_space<hbm>> -> memref<100000x128xf32, #tpu.memory_space<hbm>>
    %dma_start3A_30 = tpu.memref_slice %arg7[%dma_start3A_19] : memref<12x!tpu.dma_semaphore, #tpu.memory_space<semaphore_mem>> -> memref<1x!tpu.dma_semaphore, #tpu.memory_space<semaphore_mem>>
    %dma_start3A_31 = tpu.memref_squeeze %dma_start3A_30 : memref<1x!tpu.dma_semaphore, #tpu.memory_space<semaphore_mem>> -> memref<!tpu.dma_semaphore, #tpu.memory_space<semaphore_mem>>
    tpu.enqueue_indirect_dma source(%dma_start3A_29 : memref<100000x128xf32, #tpu.memory_space<hbm>>) target(%dma_start3A_23 : memref<64x128xf32, #tpu.memory_space<vmem>>) offsets(%dma_start3A_26 : memref<64xi32, #tpu.memory_space<vmem>>) semaphore(%dma_start3A_31 : memref<!tpu.dma_semaphore, #tpu.memory_space<semaphore_mem>>)
    %dma_start3A_32 = arith.constant 2 : i32
    %dma_start3A_33 = arith.constant 2 : i32
    %dma_start3A_34 = arith.constant 2 : i32
    %dma_start3A_35 = arith.constant 0 : i32
    %dma_start3A_36 = arith.constant 0 : i32
    %dma_start3A_37 = tpu.memref_slice %arg6[%dma_start3A_33, %dma_start3A_35, %dma_start3A_36] : memref<12x64x128xf32, #tpu.memory_space<vmem>> -> memref<1x64x128xf32, #tpu.memory_space<vmem>>
    %dma_start3A_38 = tpu.memref_squeeze %dma_start3A_37 : memref<1x64x128xf32, #tpu.memory_space<vmem>> -> memref<64x128xf32, #tpu.memory_space<vmem>>
    %dma_start3A_39 = arith.constant 0 : i32
    %dma_start3A_40 = tpu.memref_slice %arg5[%dma_start3A_32, %dma_start3A_39] : memref<250x64xi32, #tpu.memory_space<vmem>> -> memref<1x64xi32, #tpu.memory_space<vmem>>
    %dma_start3A_41 = tpu.memref_squeeze %dma_start3A_40 : memref<1x64xi32, #tpu.memory_space<vmem>> -> memref<64xi32, #tpu.memory_space<vmem>>
    %dma_start3A_42 = arith.constant 0 : i32
    %dma_start3A_43 = arith.constant 0 : i32
    %dma_start3A_44 = tpu.memref_slice %arg2[%dma_start3A_42, %dma_start3A_43] : memref<100000x128xf32, #tpu.memory_space<hbm>> -> memref<100000x128xf32, #tpu.memory_space<hbm>>
    %dma_start3A_45 = tpu.memref_slice %arg7[%dma_start3A_34] : memref<12x!tpu.dma_semaphore, #tpu.memory_space<semaphore_mem>> -> memref<1x!tpu.dma_semaphore, #tpu.memory_space<semaphore_mem>>
    %dma_start3A_46 = tpu.memref_squeeze %dma_start3A_45 : memref<1x!tpu.dma_semaphore, #tpu.memory_space<semaphore_mem>> -> memref<!tpu.dma_semaphore, #tpu.memory_space<semaphore_mem>>
    tpu.enqueue_indirect_dma source(%dma_start3A_44 : memref<100000x128xf32, #tpu.memory_space<hbm>>) target(%dma_start3A_38 : memref<64x128xf32, #tpu.memory_space<vmem>>) offsets(%dma_start3A_41 : memref<64xi32, #tpu.memory_space<vmem>>) semaphore(%dma_start3A_46 : memref<!tpu.dma_semaphore, #tpu.memory_space<semaphore_mem>>)
    %dma_start3A_47 = arith.constant 3 : i32
    %dma_start3A_48 = arith.constant 3 : i32
    %dma_start3A_49 = arith.constant 3 : i32
    %dma_start3A_50 = arith.constant 0 : i32
    %dma_start3A_51 = arith.constant 0 : i32
    %dma_start3A_52 = tpu.memref_slice %arg6[%dma_start3A_48, %dma_start3A_50, %dma_start3A_51] : memref<12x64x128xf32, #tpu.memory_space<vmem>> -> memref<1x64x128xf32, #tpu.memory_space<vmem>>
    %dma_start3A_53 = tpu.memref_squeeze %dma_start3A_52 : memref<1x64x128xf32, #tpu.memory_space<vmem>> -> memref<64x128xf32, #tpu.memory_space<vmem>>
    %dma_start3A_54 = arith.constant 0 : i32
    %dma_start3A_55 = tpu.memref_slice %arg5[%dma_start3A_47, %dma_start3A_54] : memref<250x64xi32, #tpu.memory_space<vmem>> -> memref<1x64xi32, #tpu.memory_space<vmem>>
    %dma_start3A_56 = tpu.memref_squeeze %dma_start3A_55 : memref<1x64xi32, #tpu.memory_space<vmem>> -> memref<64xi32, #tpu.memory_space<vmem>>
    %dma_start3A_57 = arith.constant 0 : i32
    %dma_start3A_58 = arith.constant 0 : i32
    %dma_start3A_59 = tpu.memref_slice %arg2[%dma_start3A_57, %dma_start3A_58] : memref<100000x128xf32, #tpu.memory_space<hbm>> -> memref<100000x128xf32, #tpu.memory_space<hbm>>
    %dma_start3A_60 = tpu.memref_slice %arg7[%dma_start3A_49] : memref<12x!tpu.dma_semaphore, #tpu.memory_space<semaphore_mem>> -> memref<1x!tpu.dma_semaphore, #tpu.memory_space<semaphore_mem>>
    %dma_start3A_61 = tpu.memref_squeeze %dma_start3A_60 : memref<1x!tpu.dma_semaphore, #tpu.memory_space<semaphore_mem>> -> memref<!tpu.dma_semaphore, #tpu.memory_space<semaphore_mem>>
    tpu.enqueue_indirect_dma source(%dma_start3A_59 : memref<100000x128xf32, #tpu.memory_space<hbm>>) target(%dma_start3A_53 : memref<64x128xf32, #tpu.memory_space<vmem>>) offsets(%dma_start3A_56 : memref<64xi32, #tpu.memory_space<vmem>>) semaphore(%dma_start3A_61 : memref<!tpu.dma_semaphore, #tpu.memory_space<semaphore_mem>>)
    %dma_start3A_62 = arith.constant 4 : i32
    %dma_start3A_63 = arith.constant 4 : i32
    %dma_start3A_64 = arith.constant 4 : i32
    %dma_start3A_65 = arith.constant 0 : i32
    %dma_start3A_66 = arith.constant 0 : i32
    %dma_start3A_67 = tpu.memref_slice %arg6[%dma_start3A_63, %dma_start3A_65, %dma_start3A_66] : memref<12x64x128xf32, #tpu.memory_space<vmem>> -> memref<1x64x128xf32, #tpu.memory_space<vmem>>
    %dma_start3A_68 = tpu.memref_squeeze %dma_start3A_67 : memref<1x64x128xf32, #tpu.memory_space<vmem>> -> memref<64x128xf32, #tpu.memory_space<vmem>>
    %dma_start3A_69 = arith.constant 0 : i32
    %dma_start3A_70 = tpu.memref_slice %arg5[%dma_start3A_62, %dma_start3A_69] : memref<250x64xi32, #tpu.memory_space<vmem>> -> memref<1x64xi32, #tpu.memory_space<vmem>>
    %dma_start3A_71 = tpu.memref_squeeze %dma_start3A_70 : memref<1x64xi32, #tpu.memory_space<vmem>> -> memref<64xi32, #tpu.memory_space<vmem>>
    %dma_start3A_72 = arith.constant 0 : i32
    %dma_start3A_73 = arith.constant 0 : i32
    %dma_start3A_74 = tpu.memref_slice %arg2[%dma_start3A_72, %dma_start3A_73] : memref<100000x128xf32, #tpu.memory_space<hbm>> -> memref<100000x128xf32, #tpu.memory_space<hbm>>
    %dma_start3A_75 = tpu.memref_slice %arg7[%dma_start3A_64] : memref<12x!tpu.dma_semaphore, #tpu.memory_space<semaphore_mem>> -> memref<1x!tpu.dma_semaphore, #tpu.memory_space<semaphore_mem>>
    %dma_start3A_76 = tpu.memref_squeeze %dma_start3A_75 : memref<1x!tpu.dma_semaphore, #tpu.memory_space<semaphore_mem>> -> memref<!tpu.dma_semaphore, #tpu.memory_space<semaphore_mem>>
    tpu.enqueue_indirect_dma source(%dma_start3A_74 : memref<100000x128xf32, #tpu.memory_space<hbm>>) target(%dma_start3A_68 : memref<64x128xf32, #tpu.memory_space<vmem>>) offsets(%dma_start3A_71 : memref<64xi32, #tpu.memory_space<vmem>>) semaphore(%dma_start3A_76 : memref<!tpu.dma_semaphore, #tpu.memory_space<semaphore_mem>>)
    %dma_start3A_77 = arith.constant 5 : i32
    %dma_start3A_78 = arith.constant 5 : i32
    %dma_start3A_79 = arith.constant 5 : i32
    %dma_start3A_80 = arith.constant 0 : i32
    %dma_start3A_81 = arith.constant 0 : i32
    %dma_start3A_82 = tpu.memref_slice %arg6[%dma_start3A_78, %dma_start3A_80, %dma_start3A_81] : memref<12x64x128xf32, #tpu.memory_space<vmem>> -> memref<1x64x128xf32, #tpu.memory_space<vmem>>
    %dma_start3A_83 = tpu.memref_squeeze %dma_start3A_82 : memref<1x64x128xf32, #tpu.memory_space<vmem>> -> memref<64x128xf32, #tpu.memory_space<vmem>>
    %dma_start3A_84 = arith.constant 0 : i32
    %dma_start3A_85 = tpu.memref_slice %arg5[%dma_start3A_77, %dma_start3A_84] : memref<250x64xi32, #tpu.memory_space<vmem>> -> memref<1x64xi32, #tpu.memory_space<vmem>>
    %dma_start3A_86 = tpu.memref_squeeze %dma_start3A_85 : memref<1x64xi32, #tpu.memory_space<vmem>> -> memref<64xi32, #tpu.memory_space<vmem>>
    %dma_start3A_87 = arith.constant 0 : i32
    %dma_start3A_88 = arith.constant 0 : i32
    %dma_start3A_89 = tpu.memref_slice %arg2[%dma_start3A_87, %dma_start3A_88] : memref<100000x128xf32, #tpu.memory_space<hbm>> -> memref<100000x128xf32, #tpu.memory_space<hbm>>
    %dma_start3A_90 = tpu.memref_slice %arg7[%dma_start3A_79] : memref<12x!tpu.dma_semaphore, #tpu.memory_space<semaphore_mem>> -> memref<1x!tpu.dma_semaphore, #tpu.memory_space<semaphore_mem>>
    %dma_start3A_91 = tpu.memref_squeeze %dma_start3A_90 : memref<1x!tpu.dma_semaphore, #tpu.memory_space<semaphore_mem>> -> memref<!tpu.dma_semaphore, #tpu.memory_space<semaphore_mem>>
    tpu.enqueue_indirect_dma source(%dma_start3A_89 : memref<100000x128xf32, #tpu.memory_space<hbm>>) target(%dma_start3A_83 : memref<64x128xf32, #tpu.memory_space<vmem>>) offsets(%dma_start3A_86 : memref<64xi32, #tpu.memory_space<vmem>>) semaphore(%dma_start3A_91 : memref<!tpu.dma_semaphore, #tpu.memory_space<semaphore_mem>>)
    %dma_start3A_92 = arith.constant 6 : i32
    %dma_start3A_93 = arith.constant 6 : i32
    %dma_start3A_94 = arith.constant 6 : i32
    %dma_start3A_95 = arith.constant 0 : i32
    %dma_start3A_96 = arith.constant 0 : i32
    %dma_start3A_97 = tpu.memref_slice %arg6[%dma_start3A_93, %dma_start3A_95, %dma_start3A_96] : memref<12x64x128xf32, #tpu.memory_space<vmem>> -> memref<1x64x128xf32, #tpu.memory_space<vmem>>
    %dma_start3A_98 = tpu.memref_squeeze %dma_start3A_97 : memref<1x64x128xf32, #tpu.memory_space<vmem>> -> memref<64x128xf32, #tpu.memory_space<vmem>>
    %dma_start3A_99 = arith.constant 0 : i32
    %dma_start3A_100 = tpu.memref_slice %arg5[%dma_start3A_92, %dma_start3A_99] : memref<250x64xi32, #tpu.memory_space<vmem>> -> memref<1x64xi32, #tpu.memory_space<vmem>>
    %dma_start3A_101 = tpu.memref_squeeze %dma_start3A_100 : memref<1x64xi32, #tpu.memory_space<vmem>> -> memref<64xi32, #tpu.memory_space<vmem>>
    %dma_start3A_102 = arith.constant 0 : i32
    %dma_start3A_103 = arith.constant 0 : i32
    %dma_start3A_104 = tpu.memref_slice %arg2[%dma_start3A_102, %dma_start3A_103] : memref<100000x128xf32, #tpu.memory_space<hbm>> -> memref<100000x128xf32, #tpu.memory_space<hbm>>
    %dma_start3A_105 = tpu.memref_slice %arg7[%dma_start3A_94] : memref<12x!tpu.dma_semaphore, #tpu.memory_space<semaphore_mem>> -> memref<1x!tpu.dma_semaphore, #tpu.memory_space<semaphore_mem>>
    %dma_start3A_106 = tpu.memref_squeeze %dma_start3A_105 : memref<1x!tpu.dma_semaphore, #tpu.memory_space<semaphore_mem>> -> memref<!tpu.dma_semaphore, #tpu.memory_space<semaphore_mem>>
    tpu.enqueue_indirect_dma source(%dma_start3A_104 : memref<100000x128xf32, #tpu.memory_space<hbm>>) target(%dma_start3A_98 : memref<64x128xf32, #tpu.memory_space<vmem>>) offsets(%dma_start3A_101 : memref<64xi32, #tpu.memory_space<vmem>>) semaphore(%dma_start3A_106 : memref<!tpu.dma_semaphore, #tpu.memory_space<semaphore_mem>>)
    %dma_start3A_107 = arith.constant 7 : i32
    %dma_start3A_108 = arith.constant 7 : i32
    %dma_start3A_109 = arith.constant 7 : i32
    %dma_start3A_110 = arith.constant 0 : i32
    %dma_start3A_111 = arith.constant 0 : i32
    %dma_start3A_112 = tpu.memref_slice %arg6[%dma_start3A_108, %dma_start3A_110, %dma_start3A_111] : memref<12x64x128xf32, #tpu.memory_space<vmem>> -> memref<1x64x128xf32, #tpu.memory_space<vmem>>
    %dma_start3A_113 = tpu.memref_squeeze %dma_start3A_112 : memref<1x64x128xf32, #tpu.memory_space<vmem>> -> memref<64x128xf32, #tpu.memory_space<vmem>>
    %dma_start3A_114 = arith.constant 0 : i32
    %dma_start3A_115 = tpu.memref_slice %arg5[%dma_start3A_107, %dma_start3A_114] : memref<250x64xi32, #tpu.memory_space<vmem>> -> memref<1x64xi32, #tpu.memory_space<vmem>>
    %dma_start3A_116 = tpu.memref_squeeze %dma_start3A_115 : memref<1x64xi32, #tpu.memory_space<vmem>> -> memref<64xi32, #tpu.memory_space<vmem>>
    %dma_start3A_117 = arith.constant 0 : i32
    %dma_start3A_118 = arith.constant 0 : i32
    %dma_start3A_119 = tpu.memref_slice %arg2[%dma_start3A_117, %dma_start3A_118] : memref<100000x128xf32, #tpu.memory_space<hbm>> -> memref<100000x128xf32, #tpu.memory_space<hbm>>
    %dma_start3A_120 = tpu.memref_slice %arg7[%dma_start3A_109] : memref<12x!tpu.dma_semaphore, #tpu.memory_space<semaphore_mem>> -> memref<1x!tpu.dma_semaphore, #tpu.memory_space<semaphore_mem>>
    %dma_start3A_121 = tpu.memref_squeeze %dma_start3A_120 : memref<1x!tpu.dma_semaphore, #tpu.memory_space<semaphore_mem>> -> memref<!tpu.dma_semaphore, #tpu.memory_space<semaphore_mem>>
    tpu.enqueue_indirect_dma source(%dma_start3A_119 : memref<100000x128xf32, #tpu.memory_space<hbm>>) target(%dma_start3A_113 : memref<64x128xf32, #tpu.memory_space<vmem>>) offsets(%dma_start3A_116 : memref<64xi32, #tpu.memory_space<vmem>>) semaphore(%dma_start3A_121 : memref<!tpu.dma_semaphore, #tpu.memory_space<semaphore_mem>>)
    %dma_start3A_122 = arith.constant 8 : i32
    %dma_start3A_123 = arith.constant 8 : i32
    %dma_start3A_124 = arith.constant 8 : i32
    %dma_start3A_125 = arith.constant 0 : i32
    %dma_start3A_126 = arith.constant 0 : i32
    %dma_start3A_127 = tpu.memref_slice %arg6[%dma_start3A_123, %dma_start3A_125, %dma_start3A_126] : memref<12x64x128xf32, #tpu.memory_space<vmem>> -> memref<1x64x128xf32, #tpu.memory_space<vmem>>
    %dma_start3A_128 = tpu.memref_squeeze %dma_start3A_127 : memref<1x64x128xf32, #tpu.memory_space<vmem>> -> memref<64x128xf32, #tpu.memory_space<vmem>>
    %dma_start3A_129 = arith.constant 0 : i32
    %dma_start3A_130 = tpu.memref_slice %arg5[%dma_start3A_122, %dma_start3A_129] : memref<250x64xi32, #tpu.memory_space<vmem>> -> memref<1x64xi32, #tpu.memory_space<vmem>>
    %dma_start3A_131 = tpu.memref_squeeze %dma_start3A_130 : memref<1x64xi32, #tpu.memory_space<vmem>> -> memref<64xi32, #tpu.memory_space<vmem>>
    %dma_start3A_132 = arith.constant 0 : i32
    %dma_start3A_133 = arith.constant 0 : i32
    %dma_start3A_134 = tpu.memref_slice %arg2[%dma_start3A_132, %dma_start3A_133] : memref<100000x128xf32, #tpu.memory_space<hbm>> -> memref<100000x128xf32, #tpu.memory_space<hbm>>
    %dma_start3A_135 = tpu.memref_slice %arg7[%dma_start3A_124] : memref<12x!tpu.dma_semaphore, #tpu.memory_space<semaphore_mem>> -> memref<1x!tpu.dma_semaphore, #tpu.memory_space<semaphore_mem>>
    %dma_start3A_136 = tpu.memref_squeeze %dma_start3A_135 : memref<1x!tpu.dma_semaphore, #tpu.memory_space<semaphore_mem>> -> memref<!tpu.dma_semaphore, #tpu.memory_space<semaphore_mem>>
    tpu.enqueue_indirect_dma source(%dma_start3A_134 : memref<100000x128xf32, #tpu.memory_space<hbm>>) target(%dma_start3A_128 : memref<64x128xf32, #tpu.memory_space<vmem>>) offsets(%dma_start3A_131 : memref<64xi32, #tpu.memory_space<vmem>>) semaphore(%dma_start3A_136 : memref<!tpu.dma_semaphore, #tpu.memory_space<semaphore_mem>>)
    %dma_start3A_137 = arith.constant 9 : i32
    %dma_start3A_138 = arith.constant 9 : i32
    %dma_start3A_139 = arith.constant 9 : i32
    %dma_start3A_140 = arith.constant 0 : i32
    %dma_start3A_141 = arith.constant 0 : i32
    %dma_start3A_142 = tpu.memref_slice %arg6[%dma_start3A_138, %dma_start3A_140, %dma_start3A_141] : memref<12x64x128xf32, #tpu.memory_space<vmem>> -> memref<1x64x128xf32, #tpu.memory_space<vmem>>
    %dma_start3A_143 = tpu.memref_squeeze %dma_start3A_142 : memref<1x64x128xf32, #tpu.memory_space<vmem>> -> memref<64x128xf32, #tpu.memory_space<vmem>>
    %dma_start3A_144 = arith.constant 0 : i32
    %dma_start3A_145 = tpu.memref_slice %arg5[%dma_start3A_137, %dma_start3A_144] : memref<250x64xi32, #tpu.memory_space<vmem>> -> memref<1x64xi32, #tpu.memory_space<vmem>>
    %dma_start3A_146 = tpu.memref_squeeze %dma_start3A_145 : memref<1x64xi32, #tpu.memory_space<vmem>> -> memref<64xi32, #tpu.memory_space<vmem>>
    %dma_start3A_147 = arith.constant 0 : i32
    %dma_start3A_148 = arith.constant 0 : i32
    %dma_start3A_149 = tpu.memref_slice %arg2[%dma_start3A_147, %dma_start3A_148] : memref<100000x128xf32, #tpu.memory_space<hbm>> -> memref<100000x128xf32, #tpu.memory_space<hbm>>
    %dma_start3A_150 = tpu.memref_slice %arg7[%dma_start3A_139] : memref<12x!tpu.dma_semaphore, #tpu.memory_space<semaphore_mem>> -> memref<1x!tpu.dma_semaphore, #tpu.memory_space<semaphore_mem>>
    %dma_start3A_151 = tpu.memref_squeeze %dma_start3A_150 : memref<1x!tpu.dma_semaphore, #tpu.memory_space<semaphore_mem>> -> memref<!tpu.dma_semaphore, #tpu.memory_space<semaphore_mem>>
    tpu.enqueue_indirect_dma source(%dma_start3A_149 : memref<100000x128xf32, #tpu.memory_space<hbm>>) target(%dma_start3A_143 : memref<64x128xf32, #tpu.memory_space<vmem>>) offsets(%dma_start3A_146 : memref<64xi32, #tpu.memory_space<vmem>>) semaphore(%dma_start3A_151 : memref<!tpu.dma_semaphore, #tpu.memory_space<semaphore_mem>>)
    %dma_start3A_152 = arith.constant 10 : i32
    %dma_start3A_153 = arith.constant 10 : i32
    %dma_start3A_154 = arith.constant 10 : i32
    %dma_start3A_155 = arith.constant 0 : i32
    %dma_start3A_156 = arith.constant 0 : i32
    %dma_start3A_157 = tpu.memref_slice %arg6[%dma_start3A_153, %dma_start3A_155, %dma_start3A_156] : memref<12x64x128xf32, #tpu.memory_space<vmem>> -> memref<1x64x128xf32, #tpu.memory_space<vmem>>
    %dma_start3A_158 = tpu.memref_squeeze %dma_start3A_157 : memref<1x64x128xf32, #tpu.memory_space<vmem>> -> memref<64x128xf32, #tpu.memory_space<vmem>>
    %dma_start3A_159 = arith.constant 0 : i32
    %dma_start3A_160 = tpu.memref_slice %arg5[%dma_start3A_152, %dma_start3A_159] : memref<250x64xi32, #tpu.memory_space<vmem>> -> memref<1x64xi32, #tpu.memory_space<vmem>>
    %dma_start3A_161 = tpu.memref_squeeze %dma_start3A_160 : memref<1x64xi32, #tpu.memory_space<vmem>> -> memref<64xi32, #tpu.memory_space<vmem>>
    %dma_start3A_162 = arith.constant 0 : i32
    %dma_start3A_163 = arith.constant 0 : i32
    %dma_start3A_164 = tpu.memref_slice %arg2[%dma_start3A_162, %dma_start3A_163] : memref<100000x128xf32, #tpu.memory_space<hbm>> -> memref<100000x128xf32, #tpu.memory_space<hbm>>
    %dma_start3A_165 = tpu.memref_slice %arg7[%dma_start3A_154] : memref<12x!tpu.dma_semaphore, #tpu.memory_space<semaphore_mem>> -> memref<1x!tpu.dma_semaphore, #tpu.memory_space<semaphore_mem>>
    %dma_start3A_166 = tpu.memref_squeeze %dma_start3A_165 : memref<1x!tpu.dma_semaphore, #tpu.memory_space<semaphore_mem>> -> memref<!tpu.dma_semaphore, #tpu.memory_space<semaphore_mem>>
    tpu.enqueue_indirect_dma source(%dma_start3A_164 : memref<100000x128xf32, #tpu.memory_space<hbm>>) target(%dma_start3A_158 : memref<64x128xf32, #tpu.memory_space<vmem>>) offsets(%dma_start3A_161 : memref<64xi32, #tpu.memory_space<vmem>>) semaphore(%dma_start3A_166 : memref<!tpu.dma_semaphore, #tpu.memory_space<semaphore_mem>>)
    %scan3A = arith.constant 0 : i32
    %scan3A_167 = arith.constant 0 : i32
    %scan3A_168 = arith.constant 250 : i32
    %scan3A_169 = arith.addi %scan3A_167, %scan3A_168 : i32
    %scan3A_170 = arith.constant 1 : i32
    scf.for %scan3A_481 = %scan3A_167 to %scan3A_169 step %scan3A_170  : i32 {
      %rem3A_482 = arith.constant 12 : i32
      %rem3A_483 = arith.remsi %scan3A_481, %rem3A_482 : i32
      %dma_wait3A_484 = arith.constant 0 : i32
      %dma_wait3A_485 = arith.constant 0 : i32
      %dma_wait3A_486 = tpu.memref_slice %arg6[%rem3A_483, %dma_wait3A_484, %dma_wait3A_485] : memref<12x64x128xf32, #tpu.memory_space<vmem>> -> memref<1x64x128xf32, #tpu.memory_space<vmem>>
      %dma_wait3A_487 = tpu.memref_squeeze %dma_wait3A_486 : memref<1x64x128xf32, #tpu.memory_space<vmem>> -> memref<64x128xf32, #tpu.memory_space<vmem>>
      %dma_wait3A_488 = arith.constant 0 : i32
      %dma_wait3A_489 = tpu.memref_slice %arg5[%scan3A_481, %dma_wait3A_488] : memref<250x64xi32, #tpu.memory_space<vmem>> -> memref<1x64xi32, #tpu.memory_space<vmem>>
      %dma_wait3A_490 = tpu.memref_squeeze %dma_wait3A_489 : memref<1x64xi32, #tpu.memory_space<vmem>> -> memref<64xi32, #tpu.memory_space<vmem>>
      %dma_wait3A_491 = arith.constant 0 : i32
      %dma_wait3A_492 = arith.constant 0 : i32
      %dma_wait3A_493 = tpu.memref_slice %arg2[%dma_wait3A_491, %dma_wait3A_492] : memref<100000x128xf32, #tpu.memory_space<hbm>> -> memref<100000x128xf32, #tpu.memory_space<hbm>>
      %dma_wait3A_494 = tpu.memref_slice %arg7[%rem3A_483] : memref<12x!tpu.dma_semaphore, #tpu.memory_space<semaphore_mem>> -> memref<1x!tpu.dma_semaphore, #tpu.memory_space<semaphore_mem>>
      %dma_wait3A_495 = tpu.memref_squeeze %dma_wait3A_494 : memref<1x!tpu.dma_semaphore, #tpu.memory_space<semaphore_mem>> -> memref<!tpu.dma_semaphore, #tpu.memory_space<semaphore_mem>>
      tpu.wait_indirect_dma semaphore(%dma_wait3A_495 : memref<!tpu.dma_semaphore, #tpu.memory_space<semaphore_mem>>) src(%dma_wait3A_493 : memref<100000x128xf32, #tpu.memory_space<hbm>>) dst(%dma_wait3A_487 : memref<64x128xf32, #tpu.memory_space<vmem>>)
      %add3A_496 = arith.addi %mul3A_2, %scan3A_481 : i32
      %div3A_497 = arith.constant 16 : i32
      %div3A_498 = arith.divsi %add3A_496, %div3A_497 : i32
      %rem3A_499 = arith.constant 16 : i32
      %rem3A_500 = arith.remsi %add3A_496, %rem3A_499 : i32
      %mul3A_501 = arith.constant 64 : i32
      %mul3A_502 = arith.muli %rem3A_500, %mul3A_501 : i32
      %dma_start3A_503 = arith.constant 0 : i32
      %dma_start3A_504 = arith.constant 0 : i32
      %dma_start3A_505 = tpu.memref_slice %arg6[%rem3A_483, %dma_start3A_503, %dma_start3A_504] : memref<12x64x128xf32, #tpu.memory_space<vmem>> -> memref<1x64x128xf32, #tpu.memory_space<vmem>>
      %dma_start3A_506 = tpu.memref_squeeze %dma_start3A_505 : memref<1x64x128xf32, #tpu.memory_space<vmem>> -> memref<64x128xf32, #tpu.memory_space<vmem>>
      %dma_start3A_507 = arith.constant 0 : i32
      %dma_start3A_508 = tpu.memref_slice %arg4[%div3A_498, %mul3A_502, %dma_start3A_507] : memref<500x1024x128xf32, #tpu.memory_space<hbm>> -> memref<1x64x128xf32, #tpu.memory_space<hbm>>
      %dma_start3A_509 = tpu.memref_squeeze %dma_start3A_508 : memref<1x64x128xf32, #tpu.memory_space<hbm>> -> memref<64x128xf32, #tpu.memory_space<hbm>>
      %dma_start3A_510 = tpu.memref_slice %arg8[%rem3A_483] : memref<12x!tpu.dma_semaphore, #tpu.memory_space<semaphore_mem>> -> memref<1x!tpu.dma_semaphore, #tpu.memory_space<semaphore_mem>>
      %dma_start3A_511 = tpu.memref_squeeze %dma_start3A_510 : memref<1x!tpu.dma_semaphore, #tpu.memory_space<semaphore_mem>> -> memref<!tpu.dma_semaphore, #tpu.memory_space<semaphore_mem>>
      %dma_start3A_512 = arith.constant 0 : i32
      %dma_start3A_513 = tpu.memref_slice %arg4[%div3A_498, %mul3A_502, %dma_start3A_512] : memref<500x1024x128xf32, #tpu.memory_space<hbm>> -> memref<1x64x128xf32, #tpu.memory_space<hbm>>
      %dma_start3A_514 = tpu.memref_squeeze %dma_start3A_513 : memref<1x64x128xf32, #tpu.memory_space<hbm>> -> memref<64x128xf32, #tpu.memory_space<hbm>>
      %dma_start3A_515 = arith.constant 0 : i32
      %dma_start3A_516 = arith.constant 0 : i32
      %dma_start3A_517 = tpu.memref_slice %arg6[%rem3A_483, %dma_start3A_515, %dma_start3A_516] : memref<12x64x128xf32, #tpu.memory_space<vmem>> -> memref<1x64x128xf32, #tpu.memory_space<vmem>>
      %dma_start3A_518 = tpu.memref_squeeze %dma_start3A_517 : memref<1x64x128xf32, #tpu.memory_space<vmem>> -> memref<64x128xf32, #tpu.memory_space<vmem>>
      tpu.enqueue_dma source(%dma_start3A_518 : memref<64x128xf32, #tpu.memory_space<vmem>>) target(%dma_start3A_514 : memref<64x128xf32, #tpu.memory_space<hbm>>) target_semaphore(%dma_start3A_511 : memref<!tpu.dma_semaphore, #tpu.memory_space<semaphore_mem>>)
      %add3A_519 = arith.constant 12 : i32
      %add3A_520 = arith.addi %scan3A_481, %add3A_519 : i32
      %sub3A = arith.constant 1 : i32
      %sub3A_521 = arith.subi %add3A_520, %sub3A : i32
      %rem3A_522 = arith.constant 12 : i32
      %rem3A_523 = arith.remsi %sub3A_521, %rem3A_522 : i32
      %add3A_524 = arith.constant 12 : i32
      %add3A_525 = arith.addi %scan3A_481, %add3A_524 : i32
      %sub3A_526 = arith.constant 1 : i32
      %sub3A_527 = arith.subi %add3A_525, %sub3A_526 : i32
      %lt3A = arith.constant 250 : i32
      %lt3A_528 = arith.cmpi slt, %sub3A_527, %lt3A : i32
      %convert_element_type3A = arith.extui %lt3A_528 : i1 to i32
      %cond3A = arith.constant 0 : i32
      %cond3A_529 = arith.cmpi ne, %convert_element_type3A, %cond3A : i32
      scf.if %cond3A_529 {
        %ge3A = arith.constant 1 : i32
        %ge3A_530 = arith.cmpi sge, %scan3A_481, %ge3A : i32
        %convert_element_type3A_531 = arith.extui %ge3A_530 : i1 to i32
        %cond3A_532 = arith.constant 0 : i32
        %cond3A_533 = arith.cmpi ne, %convert_element_type3A_531, %cond3A_532 : i32
        scf.if %cond3A_533 {
          %sub3A_550 = arith.constant 1 : i32
          %sub3A_551 = arith.subi %scan3A_481, %sub3A_550 : i32
          %add3A_552 = arith.addi %mul3A_2, %sub3A_551 : i32
          %div3A_553 = arith.constant 16 : i32
          %div3A_554 = arith.divsi %add3A_552, %div3A_553 : i32
          %rem3A_555 = arith.constant 16 : i32
          %rem3A_556 = arith.remsi %add3A_552, %rem3A_555 : i32
          %mul3A_557 = arith.constant 64 : i32
          %mul3A_558 = arith.muli %rem3A_556, %mul3A_557 : i32
          %dma_wait3A_559 = arith.constant 0 : i32
          %dma_wait3A_560 = arith.constant 0 : i32
          %dma_wait3A_561 = tpu.memref_slice %arg6[%rem3A_523, %dma_wait3A_559, %dma_wait3A_560] : memref<12x64x128xf32, #tpu.memory_space<vmem>> -> memref<1x64x128xf32, #tpu.memory_space<vmem>>
          %dma_wait3A_562 = tpu.memref_squeeze %dma_wait3A_561 : memref<1x64x128xf32, #tpu.memory_space<vmem>> -> memref<64x128xf32, #tpu.memory_space<vmem>>
          %dma_wait3A_563 = arith.constant 0 : i32
          %dma_wait3A_564 = tpu.memref_slice %arg4[%div3A_554, %mul3A_558, %dma_wait3A_563] : memref<500x1024x128xf32, #tpu.memory_space<hbm>> -> memref<1x64x128xf32, #tpu.memory_space<hbm>>
          %dma_wait3A_565 = tpu.memref_squeeze %dma_wait3A_564 : memref<1x64x128xf32, #tpu.memory_space<hbm>> -> memref<64x128xf32, #tpu.memory_space<hbm>>
          %dma_wait3A_566 = tpu.memref_slice %arg8[%rem3A_523] : memref<12x!tpu.dma_semaphore, #tpu.memory_space<semaphore_mem>> -> memref<1x!tpu.dma_semaphore, #tpu.memory_space<semaphore_mem>>
          %dma_wait3A_567 = tpu.memref_squeeze %dma_wait3A_566 : memref<1x!tpu.dma_semaphore, #tpu.memory_space<semaphore_mem>> -> memref<!tpu.dma_semaphore, #tpu.memory_space<semaphore_mem>>
          %dma_wait3A_568 = arith.constant 0 : i32
          %dma_wait3A_569 = tpu.memref_slice %arg4[%div3A_554, %mul3A_558, %dma_wait3A_568] : memref<500x1024x128xf32, #tpu.memory_space<hbm>> -> memref<1x64x128xf32, #tpu.memory_space<hbm>>
          %dma_wait3A_570 = tpu.memref_squeeze %dma_wait3A_569 : memref<1x64x128xf32, #tpu.memory_space<hbm>> -> memref<64x128xf32, #tpu.memory_space<hbm>>
          %dma_wait3A_571 = arith.constant 0 : i32
          %dma_wait3A_572 = arith.constant 0 : i32
          %dma_wait3A_573 = tpu.memref_slice %arg6[%rem3A_523, %dma_wait3A_571, %dma_wait3A_572] : memref<12x64x128xf32, #tpu.memory_space<vmem>> -> memref<1x64x128xf32, #tpu.memory_space<vmem>>
          %dma_wait3A_574 = tpu.memref_squeeze %dma_wait3A_573 : memref<1x64x128xf32, #tpu.memory_space<vmem>> -> memref<64x128xf32, #tpu.memory_space<vmem>>
          tpu.wait_dma2 semaphore(%dma_wait3A_567 : memref<!tpu.dma_semaphore, #tpu.memory_space<semaphore_mem>>) src(%dma_wait3A_574 : memref<64x128xf32, #tpu.memory_space<vmem>>) dst(%dma_wait3A_570 : memref<64x128xf32, #tpu.memory_space<hbm>>)
        } else {
        }
        %add3A_534 = arith.constant 12 : i32
        %add3A_535 = arith.addi %scan3A_481, %add3A_534 : i32
        %sub3A_536 = arith.constant 1 : i32
        %sub3A_537 = arith.subi %add3A_535, %sub3A_536 : i32
        %dma_start3A_538 = arith.constant 0 : i32
        %dma_start3A_539 = arith.constant 0 : i32
        %dma_start3A_540 = tpu.memref_slice %arg6[%rem3A_523, %dma_start3A_538, %dma_start3A_539] : memref<12x64x128xf32, #tpu.memory_space<vmem>> -> memref<1x64x128xf32, #tpu.memory_space<vmem>>
        %dma_start3A_541 = tpu.memref_squeeze %dma_start3A_540 : memref<1x64x128xf32, #tpu.memory_space<vmem>> -> memref<64x128xf32, #tpu.memory_space<vmem>>
        %dma_start3A_542 = arith.constant 0 : i32
        %dma_start3A_543 = tpu.memref_slice %arg5[%sub3A_537, %dma_start3A_542] : memref<250x64xi32, #tpu.memory_space<vmem>> -> memref<1x64xi32, #tpu.memory_space<vmem>>
        %dma_start3A_544 = tpu.memref_squeeze %dma_start3A_543 : memref<1x64xi32, #tpu.memory_space<vmem>> -> memref<64xi32, #tpu.memory_space<vmem>>
        %dma_start3A_545 = arith.constant 0 : i32
        %dma_start3A_546 = arith.constant 0 : i32
        %dma_start3A_547 = tpu.memref_slice %arg2[%dma_start3A_545, %dma_start3A_546] : memref<100000x128xf32, #tpu.memory_space<hbm>> -> memref<100000x128xf32, #tpu.memory_space<hbm>>
        %dma_start3A_548 = tpu.memref_slice %arg7[%rem3A_523] : memref<12x!tpu.dma_semaphore, #tpu.memory_space<semaphore_mem>> -> memref<1x!tpu.dma_semaphore, #tpu.memory_space<semaphore_mem>>
        %dma_start3A_549 = tpu.memref_squeeze %dma_start3A_548 : memref<1x!tpu.dma_semaphore, #tpu.memory_space<semaphore_mem>> -> memref<!tpu.dma_semaphore, #tpu.memory_space<semaphore_mem>>
        tpu.enqueue_indirect_dma source(%dma_start3A_547 : memref<100000x128xf32, #tpu.memory_space<hbm>>) target(%dma_start3A_541 : memref<64x128xf32, #tpu.memory_space<vmem>>) offsets(%dma_start3A_544 : memref<64xi32, #tpu.memory_space<vmem>>) semaphore(%dma_start3A_549 : memref<!tpu.dma_semaphore, #tpu.memory_space<semaphore_mem>>)
      } else {
      }
    }
    %scan3A_171 = arith.constant 250 : i32
    %add3A_172 = arith.constant 238 : i32
    %add3A_173 = arith.addi %mul3A_2, %add3A_172 : i32
    %div3A = arith.constant 16 : i32
    %div3A_174 = arith.divsi %add3A_173, %div3A : i32
    %rem3A = arith.constant 16 : i32
    %rem3A_175 = arith.remsi %add3A_173, %rem3A : i32
    %mul3A_176 = arith.constant 64 : i32
    %mul3A_177 = arith.muli %rem3A_175, %mul3A_176 : i32
    %dma_wait3A = arith.constant 10 : i32
    %dma_wait3A_178 = arith.constant 10 : i32
    %dma_wait3A_179 = arith.constant 0 : i32
    %dma_wait3A_180 = arith.constant 0 : i32
    %dma_wait3A_181 = tpu.memref_slice %arg6[%dma_wait3A, %dma_wait3A_179, %dma_wait3A_180] : memref<12x64x128xf32, #tpu.memory_space<vmem>> -> memref<1x64x128xf32, #tpu.memory_space<vmem>>
    %dma_wait3A_182 = tpu.memref_squeeze %dma_wait3A_181 : memref<1x64x128xf32, #tpu.memory_space<vmem>> -> memref<64x128xf32, #tpu.memory_space<vmem>>
    %dma_wait3A_183 = arith.constant 0 : i32
    %dma_wait3A_184 = tpu.memref_slice %arg4[%div3A_174, %mul3A_177, %dma_wait3A_183] : memref<500x1024x128xf32, #tpu.memory_space<hbm>> -> memref<1x64x128xf32, #tpu.memory_space<hbm>>
    %dma_wait3A_185 = tpu.memref_squeeze %dma_wait3A_184 : memref<1x64x128xf32, #tpu.memory_space<hbm>> -> memref<64x128xf32, #tpu.memory_space<hbm>>
    %dma_wait3A_186 = tpu.memref_slice %arg8[%dma_wait3A_178] : memref<12x!tpu.dma_semaphore, #tpu.memory_space<semaphore_mem>> -> memref<1x!tpu.dma_semaphore, #tpu.memory_space<semaphore_mem>>
    %dma_wait3A_187 = tpu.memref_squeeze %dma_wait3A_186 : memref<1x!tpu.dma_semaphore, #tpu.memory_space<semaphore_mem>> -> memref<!tpu.dma_semaphore, #tpu.memory_space<semaphore_mem>>
    %dma_wait3A_188 = arith.constant 0 : i32
    %dma_wait3A_189 = tpu.memref_slice %arg4[%div3A_174, %mul3A_177, %dma_wait3A_188] : memref<500x1024x128xf32, #tpu.memory_space<hbm>> -> memref<1x64x128xf32, #tpu.memory_space<hbm>>
    %dma_wait3A_190 = tpu.memref_squeeze %dma_wait3A_189 : memref<1x64x128xf32, #tpu.memory_space<hbm>> -> memref<64x128xf32, #tpu.memory_space<hbm>>
    %dma_wait3A_191 = arith.constant 0 : i32
    %dma_wait3A_192 = arith.constant 0 : i32
    %dma_wait3A_193 = tpu.memref_slice %arg6[%dma_wait3A, %dma_wait3A_191, %dma_wait3A_192] : memref<12x64x128xf32, #tpu.memory_space<vmem>> -> memref<1x64x128xf32, #tpu.memory_space<vmem>>
    %dma_wait3A_194 = tpu.memref_squeeze %dma_wait3A_193 : memref<1x64x128xf32, #tpu.memory_space<vmem>> -> memref<64x128xf32, #tpu.memory_space<vmem>>
    tpu.wait_dma2 semaphore(%dma_wait3A_187 : memref<!tpu.dma_semaphore, #tpu.memory_space<semaphore_mem>>) src(%dma_wait3A_194 : memref<64x128xf32, #tpu.memory_space<vmem>>) dst(%dma_wait3A_190 : memref<64x128xf32, #tpu.memory_space<hbm>>)
    %add3A_195 = arith.constant 239 : i32
    %add3A_196 = arith.addi %mul3A_2, %add3A_195 : i32
    %div3A_197 = arith.constant 16 : i32
    %div3A_198 = arith.divsi %add3A_196, %div3A_197 : i32
    %rem3A_199 = arith.constant 16 : i32
    %rem3A_200 = arith.remsi %add3A_196, %rem3A_199 : i32
    %mul3A_201 = arith.constant 64 : i32
    %mul3A_202 = arith.muli %rem3A_200, %mul3A_201 : i32
    %dma_wait3A_203 = arith.constant 11 : i32
    %dma_wait3A_204 = arith.constant 11 : i32
    %dma_wait3A_205 = arith.constant 0 : i32
    %dma_wait3A_206 = arith.constant 0 : i32
    %dma_wait3A_207 = tpu.memref_slice %arg6[%dma_wait3A_203, %dma_wait3A_205, %dma_wait3A_206] : memref<12x64x128xf32, #tpu.memory_space<vmem>> -> memref<1x64x128xf32, #tpu.memory_space<vmem>>
    %dma_wait3A_208 = tpu.memref_squeeze %dma_wait3A_207 : memref<1x64x128xf32, #tpu.memory_space<vmem>> -> memref<64x128xf32, #tpu.memory_space<vmem>>
    %dma_wait3A_209 = arith.constant 0 : i32
    %dma_wait3A_210 = tpu.memref_slice %arg4[%div3A_198, %mul3A_202, %dma_wait3A_209] : memref<500x1024x128xf32, #tpu.memory_space<hbm>> -> memref<1x64x128xf32, #tpu.memory_space<hbm>>
    %dma_wait3A_211 = tpu.memref_squeeze %dma_wait3A_210 : memref<1x64x128xf32, #tpu.memory_space<hbm>> -> memref<64x128xf32, #tpu.memory_space<hbm>>
    %dma_wait3A_212 = tpu.memref_slice %arg8[%dma_wait3A_204] : memref<12x!tpu.dma_semaphore, #tpu.memory_space<semaphore_mem>> -> memref<1x!tpu.dma_semaphore, #tpu.memory_space<semaphore_mem>>
    %dma_wait3A_213 = tpu.memref_squeeze %dma_wait3A_212 : memref<1x!tpu.dma_semaphore, #tpu.memory_space<semaphore_mem>> -> memref<!tpu.dma_semaphore, #tpu.memory_space<semaphore_mem>>
    %dma_wait3A_214 = arith.constant 0 : i32
    %dma_wait3A_215 = tpu.memref_slice %arg4[%div3A_198, %mul3A_202, %dma_wait3A_214] : memref<500x1024x128xf32, #tpu.memory_space<hbm>> -> memref<1x64x128xf32, #tpu.memory_space<hbm>>
    %dma_wait3A_216 = tpu.memref_squeeze %dma_wait3A_215 : memref<1x64x128xf32, #tpu.memory_space<hbm>> -> memref<64x128xf32, #tpu.memory_space<hbm>>
    %dma_wait3A_217 = arith.constant 0 : i32
    %dma_wait3A_218 = arith.constant 0 : i32
    %dma_wait3A_219 = tpu.memref_slice %arg6[%dma_wait3A_203, %dma_wait3A_217, %dma_wait3A_218] : memref<12x64x128xf32, #tpu.memory_space<vmem>> -> memref<1x64x128xf32, #tpu.memory_space<vmem>>
    %dma_wait3A_220 = tpu.memref_squeeze %dma_wait3A_219 : memref<1x64x128xf32, #tpu.memory_space<vmem>> -> memref<64x128xf32, #tpu.memory_space<vmem>>
    tpu.wait_dma2 semaphore(%dma_wait3A_213 : memref<!tpu.dma_semaphore, #tpu.memory_space<semaphore_mem>>) src(%dma_wait3A_220 : memref<64x128xf32, #tpu.memory_space<vmem>>) dst(%dma_wait3A_216 : memref<64x128xf32, #tpu.memory_space<hbm>>)
    %add3A_221 = arith.constant 240 : i32
    %add3A_222 = arith.addi %mul3A_2, %add3A_221 : i32
    %div3A_223 = arith.constant 16 : i32
    %div3A_224 = arith.divsi %add3A_222, %div3A_223 : i32
    %rem3A_225 = arith.constant 16 : i32
    %rem3A_226 = arith.remsi %add3A_222, %rem3A_225 : i32
    %mul3A_227 = arith.constant 64 : i32
    %mul3A_228 = arith.muli %rem3A_226, %mul3A_227 : i32
    %dma_wait3A_229 = arith.constant 0 : i32
    %dma_wait3A_230 = arith.constant 0 : i32
    %dma_wait3A_231 = arith.constant 0 : i32
    %dma_wait3A_232 = arith.constant 0 : i32
    %dma_wait3A_233 = tpu.memref_slice %arg6[%dma_wait3A_229, %dma_wait3A_231, %dma_wait3A_232] : memref<12x64x128xf32, #tpu.memory_space<vmem>> -> memref<1x64x128xf32, #tpu.memory_space<vmem>>
    %dma_wait3A_234 = tpu.memref_squeeze %dma_wait3A_233 : memref<1x64x128xf32, #tpu.memory_space<vmem>> -> memref<64x128xf32, #tpu.memory_space<vmem>>
    %dma_wait3A_235 = arith.constant 0 : i32
    %dma_wait3A_236 = tpu.memref_slice %arg4[%div3A_224, %mul3A_228, %dma_wait3A_235] : memref<500x1024x128xf32, #tpu.memory_space<hbm>> -> memref<1x64x128xf32, #tpu.memory_space<hbm>>
    %dma_wait3A_237 = tpu.memref_squeeze %dma_wait3A_236 : memref<1x64x128xf32, #tpu.memory_space<hbm>> -> memref<64x128xf32, #tpu.memory_space<hbm>>
    %dma_wait3A_238 = tpu.memref_slice %arg8[%dma_wait3A_230] : memref<12x!tpu.dma_semaphore, #tpu.memory_space<semaphore_mem>> -> memref<1x!tpu.dma_semaphore, #tpu.memory_space<semaphore_mem>>
    %dma_wait3A_239 = tpu.memref_squeeze %dma_wait3A_238 : memref<1x!tpu.dma_semaphore, #tpu.memory_space<semaphore_mem>> -> memref<!tpu.dma_semaphore, #tpu.memory_space<semaphore_mem>>
    %dma_wait3A_240 = arith.constant 0 : i32
    %dma_wait3A_241 = tpu.memref_slice %arg4[%div3A_224, %mul3A_228, %dma_wait3A_240] : memref<500x1024x128xf32, #tpu.memory_space<hbm>> -> memref<1x64x128xf32, #tpu.memory_space<hbm>>
    %dma_wait3A_242 = tpu.memref_squeeze %dma_wait3A_241 : memref<1x64x128xf32, #tpu.memory_space<hbm>> -> memref<64x128xf32, #tpu.memory_space<hbm>>
    %dma_wait3A_243 = arith.constant 0 : i32
    %dma_wait3A_244 = arith.constant 0 : i32
    %dma_wait3A_245 = tpu.memref_slice %arg6[%dma_wait3A_229, %dma_wait3A_243, %dma_wait3A_244] : memref<12x64x128xf32, #tpu.memory_space<vmem>> -> memref<1x64x128xf32, #tpu.memory_space<vmem>>
    %dma_wait3A_246 = tpu.memref_squeeze %dma_wait3A_245 : memref<1x64x128xf32, #tpu.memory_space<vmem>> -> memref<64x128xf32, #tpu.memory_space<vmem>>
    tpu.wait_dma2 semaphore(%dma_wait3A_239 : memref<!tpu.dma_semaphore, #tpu.memory_space<semaphore_mem>>) src(%dma_wait3A_246 : memref<64x128xf32, #tpu.memory_space<vmem>>) dst(%dma_wait3A_242 : memref<64x128xf32, #tpu.memory_space<hbm>>)
    %add3A_247 = arith.constant 241 : i32
    %add3A_248 = arith.addi %mul3A_2, %add3A_247 : i32
    %div3A_249 = arith.constant 16 : i32
    %div3A_250 = arith.divsi %add3A_248, %div3A_249 : i32
    %rem3A_251 = arith.constant 16 : i32
    %rem3A_252 = arith.remsi %add3A_248, %rem3A_251 : i32
    %mul3A_253 = arith.constant 64 : i32
    %mul3A_254 = arith.muli %rem3A_252, %mul3A_253 : i32
    %dma_wait3A_255 = arith.constant 1 : i32
    %dma_wait3A_256 = arith.constant 1 : i32
    %dma_wait3A_257 = arith.constant 0 : i32
    %dma_wait3A_258 = arith.constant 0 : i32
    %dma_wait3A_259 = tpu.memref_slice %arg6[%dma_wait3A_255, %dma_wait3A_257, %dma_wait3A_258] : memref<12x64x128xf32, #tpu.memory_space<vmem>> -> memref<1x64x128xf32, #tpu.memory_space<vmem>>
    %dma_wait3A_260 = tpu.memref_squeeze %dma_wait3A_259 : memref<1x64x128xf32, #tpu.memory_space<vmem>> -> memref<64x128xf32, #tpu.memory_space<vmem>>
    %dma_wait3A_261 = arith.constant 0 : i32
    %dma_wait3A_262 = tpu.memref_slice %arg4[%div3A_250, %mul3A_254, %dma_wait3A_261] : memref<500x1024x128xf32, #tpu.memory_space<hbm>> -> memref<1x64x128xf32, #tpu.memory_space<hbm>>
    %dma_wait3A_263 = tpu.memref_squeeze %dma_wait3A_262 : memref<1x64x128xf32, #tpu.memory_space<hbm>> -> memref<64x128xf32, #tpu.memory_space<hbm>>
    %dma_wait3A_264 = tpu.memref_slice %arg8[%dma_wait3A_256] : memref<12x!tpu.dma_semaphore, #tpu.memory_space<semaphore_mem>> -> memref<1x!tpu.dma_semaphore, #tpu.memory_space<semaphore_mem>>
    %dma_wait3A_265 = tpu.memref_squeeze %dma_wait3A_264 : memref<1x!tpu.dma_semaphore, #tpu.memory_space<semaphore_mem>> -> memref<!tpu.dma_semaphore, #tpu.memory_space<semaphore_mem>>
    %dma_wait3A_266 = arith.constant 0 : i32
    %dma_wait3A_267 = tpu.memref_slice %arg4[%div3A_250, %mul3A_254, %dma_wait3A_266] : memref<500x1024x128xf32, #tpu.memory_space<hbm>> -> memref<1x64x128xf32, #tpu.memory_space<hbm>>
    %dma_wait3A_268 = tpu.memref_squeeze %dma_wait3A_267 : memref<1x64x128xf32, #tpu.memory_space<hbm>> -> memref<64x128xf32, #tpu.memory_space<hbm>>
    %dma_wait3A_269 = arith.constant 0 : i32
    %dma_wait3A_270 = arith.constant 0 : i32
    %dma_wait3A_271 = tpu.memref_slice %arg6[%dma_wait3A_255, %dma_wait3A_269, %dma_wait3A_270] : memref<12x64x128xf32, #tpu.memory_space<vmem>> -> memref<1x64x128xf32, #tpu.memory_space<vmem>>
    %dma_wait3A_272 = tpu.memref_squeeze %dma_wait3A_271 : memref<1x64x128xf32, #tpu.memory_space<vmem>> -> memref<64x128xf32, #tpu.memory_space<vmem>>
    tpu.wait_dma2 semaphore(%dma_wait3A_265 : memref<!tpu.dma_semaphore, #tpu.memory_space<semaphore_mem>>) src(%dma_wait3A_272 : memref<64x128xf32, #tpu.memory_space<vmem>>) dst(%dma_wait3A_268 : memref<64x128xf32, #tpu.memory_space<hbm>>)
    %add3A_273 = arith.constant 242 : i32
    %add3A_274 = arith.addi %mul3A_2, %add3A_273 : i32
    %div3A_275 = arith.constant 16 : i32
    %div3A_276 = arith.divsi %add3A_274, %div3A_275 : i32
    %rem3A_277 = arith.constant 16 : i32
    %rem3A_278 = arith.remsi %add3A_274, %rem3A_277 : i32
    %mul3A_279 = arith.constant 64 : i32
    %mul3A_280 = arith.muli %rem3A_278, %mul3A_279 : i32
    %dma_wait3A_281 = arith.constant 2 : i32
    %dma_wait3A_282 = arith.constant 2 : i32
    %dma_wait3A_283 = arith.constant 0 : i32
    %dma_wait3A_284 = arith.constant 0 : i32
    %dma_wait3A_285 = tpu.memref_slice %arg6[%dma_wait3A_281, %dma_wait3A_283, %dma_wait3A_284] : memref<12x64x128xf32, #tpu.memory_space<vmem>> -> memref<1x64x128xf32, #tpu.memory_space<vmem>>
    %dma_wait3A_286 = tpu.memref_squeeze %dma_wait3A_285 : memref<1x64x128xf32, #tpu.memory_space<vmem>> -> memref<64x128xf32, #tpu.memory_space<vmem>>
    %dma_wait3A_287 = arith.constant 0 : i32
    %dma_wait3A_288 = tpu.memref_slice %arg4[%div3A_276, %mul3A_280, %dma_wait3A_287] : memref<500x1024x128xf32, #tpu.memory_space<hbm>> -> memref<1x64x128xf32, #tpu.memory_space<hbm>>
    %dma_wait3A_289 = tpu.memref_squeeze %dma_wait3A_288 : memref<1x64x128xf32, #tpu.memory_space<hbm>> -> memref<64x128xf32, #tpu.memory_space<hbm>>
    %dma_wait3A_290 = tpu.memref_slice %arg8[%dma_wait3A_282] : memref<12x!tpu.dma_semaphore, #tpu.memory_space<semaphore_mem>> -> memref<1x!tpu.dma_semaphore, #tpu.memory_space<semaphore_mem>>
    %dma_wait3A_291 = tpu.memref_squeeze %dma_wait3A_290 : memref<1x!tpu.dma_semaphore, #tpu.memory_space<semaphore_mem>> -> memref<!tpu.dma_semaphore, #tpu.memory_space<semaphore_mem>>
    %dma_wait3A_292 = arith.constant 0 : i32
    %dma_wait3A_293 = tpu.memref_slice %arg4[%div3A_276, %mul3A_280, %dma_wait3A_292] : memref<500x1024x128xf32, #tpu.memory_space<hbm>> -> memref<1x64x128xf32, #tpu.memory_space<hbm>>
    %dma_wait3A_294 = tpu.memref_squeeze %dma_wait3A_293 : memref<1x64x128xf32, #tpu.memory_space<hbm>> -> memref<64x128xf32, #tpu.memory_space<hbm>>
    %dma_wait3A_295 = arith.constant 0 : i32
    %dma_wait3A_296 = arith.constant 0 : i32
    %dma_wait3A_297 = tpu.memref_slice %arg6[%dma_wait3A_281, %dma_wait3A_295, %dma_wait3A_296] : memref<12x64x128xf32, #tpu.memory_space<vmem>> -> memref<1x64x128xf32, #tpu.memory_space<vmem>>
    %dma_wait3A_298 = tpu.memref_squeeze %dma_wait3A_297 : memref<1x64x128xf32, #tpu.memory_space<vmem>> -> memref<64x128xf32, #tpu.memory_space<vmem>>
    tpu.wait_dma2 semaphore(%dma_wait3A_291 : memref<!tpu.dma_semaphore, #tpu.memory_space<semaphore_mem>>) src(%dma_wait3A_298 : memref<64x128xf32, #tpu.memory_space<vmem>>) dst(%dma_wait3A_294 : memref<64x128xf32, #tpu.memory_space<hbm>>)
    %add3A_299 = arith.constant 243 : i32
    %add3A_300 = arith.addi %mul3A_2, %add3A_299 : i32
    %div3A_301 = arith.constant 16 : i32
    %div3A_302 = arith.divsi %add3A_300, %div3A_301 : i32
    %rem3A_303 = arith.constant 16 : i32
    %rem3A_304 = arith.remsi %add3A_300, %rem3A_303 : i32
    %mul3A_305 = arith.constant 64 : i32
    %mul3A_306 = arith.muli %rem3A_304, %mul3A_305 : i32
    %dma_wait3A_307 = arith.constant 3 : i32
    %dma_wait3A_308 = arith.constant 3 : i32
    %dma_wait3A_309 = arith.constant 0 : i32
    %dma_wait3A_310 = arith.constant 0 : i32
    %dma_wait3A_311 = tpu.memref_slice %arg6[%dma_wait3A_307, %dma_wait3A_309, %dma_wait3A_310] : memref<12x64x128xf32, #tpu.memory_space<vmem>> -> memref<1x64x128xf32, #tpu.memory_space<vmem>>
    %dma_wait3A_312 = tpu.memref_squeeze %dma_wait3A_311 : memref<1x64x128xf32, #tpu.memory_space<vmem>> -> memref<64x128xf32, #tpu.memory_space<vmem>>
    %dma_wait3A_313 = arith.constant 0 : i32
    %dma_wait3A_314 = tpu.memref_slice %arg4[%div3A_302, %mul3A_306, %dma_wait3A_313] : memref<500x1024x128xf32, #tpu.memory_space<hbm>> -> memref<1x64x128xf32, #tpu.memory_space<hbm>>
    %dma_wait3A_315 = tpu.memref_squeeze %dma_wait3A_314 : memref<1x64x128xf32, #tpu.memory_space<hbm>> -> memref<64x128xf32, #tpu.memory_space<hbm>>
    %dma_wait3A_316 = tpu.memref_slice %arg8[%dma_wait3A_308] : memref<12x!tpu.dma_semaphore, #tpu.memory_space<semaphore_mem>> -> memref<1x!tpu.dma_semaphore, #tpu.memory_space<semaphore_mem>>
    %dma_wait3A_317 = tpu.memref_squeeze %dma_wait3A_316 : memref<1x!tpu.dma_semaphore, #tpu.memory_space<semaphore_mem>> -> memref<!tpu.dma_semaphore, #tpu.memory_space<semaphore_mem>>
    %dma_wait3A_318 = arith.constant 0 : i32
    %dma_wait3A_319 = tpu.memref_slice %arg4[%div3A_302, %mul3A_306, %dma_wait3A_318] : memref<500x1024x128xf32, #tpu.memory_space<hbm>> -> memref<1x64x128xf32, #tpu.memory_space<hbm>>
    %dma_wait3A_320 = tpu.memref_squeeze %dma_wait3A_319 : memref<1x64x128xf32, #tpu.memory_space<hbm>> -> memref<64x128xf32, #tpu.memory_space<hbm>>
    %dma_wait3A_321 = arith.constant 0 : i32
    %dma_wait3A_322 = arith.constant 0 : i32
    %dma_wait3A_323 = tpu.memref_slice %arg6[%dma_wait3A_307, %dma_wait3A_321, %dma_wait3A_322] : memref<12x64x128xf32, #tpu.memory_space<vmem>> -> memref<1x64x128xf32, #tpu.memory_space<vmem>>
    %dma_wait3A_324 = tpu.memref_squeeze %dma_wait3A_323 : memref<1x64x128xf32, #tpu.memory_space<vmem>> -> memref<64x128xf32, #tpu.memory_space<vmem>>
    tpu.wait_dma2 semaphore(%dma_wait3A_317 : memref<!tpu.dma_semaphore, #tpu.memory_space<semaphore_mem>>) src(%dma_wait3A_324 : memref<64x128xf32, #tpu.memory_space<vmem>>) dst(%dma_wait3A_320 : memref<64x128xf32, #tpu.memory_space<hbm>>)
    %add3A_325 = arith.constant 244 : i32
    %add3A_326 = arith.addi %mul3A_2, %add3A_325 : i32
    %div3A_327 = arith.constant 16 : i32
    %div3A_328 = arith.divsi %add3A_326, %div3A_327 : i32
    %rem3A_329 = arith.constant 16 : i32
    %rem3A_330 = arith.remsi %add3A_326, %rem3A_329 : i32
    %mul3A_331 = arith.constant 64 : i32
    %mul3A_332 = arith.muli %rem3A_330, %mul3A_331 : i32
    %dma_wait3A_333 = arith.constant 4 : i32
    %dma_wait3A_334 = arith.constant 4 : i32
    %dma_wait3A_335 = arith.constant 0 : i32
    %dma_wait3A_336 = arith.constant 0 : i32
    %dma_wait3A_337 = tpu.memref_slice %arg6[%dma_wait3A_333, %dma_wait3A_335, %dma_wait3A_336] : memref<12x64x128xf32, #tpu.memory_space<vmem>> -> memref<1x64x128xf32, #tpu.memory_space<vmem>>
    %dma_wait3A_338 = tpu.memref_squeeze %dma_wait3A_337 : memref<1x64x128xf32, #tpu.memory_space<vmem>> -> memref<64x128xf32, #tpu.memory_space<vmem>>
    %dma_wait3A_339 = arith.constant 0 : i32
    %dma_wait3A_340 = tpu.memref_slice %arg4[%div3A_328, %mul3A_332, %dma_wait3A_339] : memref<500x1024x128xf32, #tpu.memory_space<hbm>> -> memref<1x64x128xf32, #tpu.memory_space<hbm>>
    %dma_wait3A_341 = tpu.memref_squeeze %dma_wait3A_340 : memref<1x64x128xf32, #tpu.memory_space<hbm>> -> memref<64x128xf32, #tpu.memory_space<hbm>>
    %dma_wait3A_342 = tpu.memref_slice %arg8[%dma_wait3A_334] : memref<12x!tpu.dma_semaphore, #tpu.memory_space<semaphore_mem>> -> memref<1x!tpu.dma_semaphore, #tpu.memory_space<semaphore_mem>>
    %dma_wait3A_343 = tpu.memref_squeeze %dma_wait3A_342 : memref<1x!tpu.dma_semaphore, #tpu.memory_space<semaphore_mem>> -> memref<!tpu.dma_semaphore, #tpu.memory_space<semaphore_mem>>
    %dma_wait3A_344 = arith.constant 0 : i32
    %dma_wait3A_345 = tpu.memref_slice %arg4[%div3A_328, %mul3A_332, %dma_wait3A_344] : memref<500x1024x128xf32, #tpu.memory_space<hbm>> -> memref<1x64x128xf32, #tpu.memory_space<hbm>>
    %dma_wait3A_346 = tpu.memref_squeeze %dma_wait3A_345 : memref<1x64x128xf32, #tpu.memory_space<hbm>> -> memref<64x128xf32, #tpu.memory_space<hbm>>
    %dma_wait3A_347 = arith.constant 0 : i32
    %dma_wait3A_348 = arith.constant 0 : i32
    %dma_wait3A_349 = tpu.memref_slice %arg6[%dma_wait3A_333, %dma_wait3A_347, %dma_wait3A_348] : memref<12x64x128xf32, #tpu.memory_space<vmem>> -> memref<1x64x128xf32, #tpu.memory_space<vmem>>
    %dma_wait3A_350 = tpu.memref_squeeze %dma_wait3A_349 : memref<1x64x128xf32, #tpu.memory_space<vmem>> -> memref<64x128xf32, #tpu.memory_space<vmem>>
    tpu.wait_dma2 semaphore(%dma_wait3A_343 : memref<!tpu.dma_semaphore, #tpu.memory_space<semaphore_mem>>) src(%dma_wait3A_350 : memref<64x128xf32, #tpu.memory_space<vmem>>) dst(%dma_wait3A_346 : memref<64x128xf32, #tpu.memory_space<hbm>>)
    %add3A_351 = arith.constant 245 : i32
    %add3A_352 = arith.addi %mul3A_2, %add3A_351 : i32
    %div3A_353 = arith.constant 16 : i32
    %div3A_354 = arith.divsi %add3A_352, %div3A_353 : i32
    %rem3A_355 = arith.constant 16 : i32
    %rem3A_356 = arith.remsi %add3A_352, %rem3A_355 : i32
    %mul3A_357 = arith.constant 64 : i32
    %mul3A_358 = arith.muli %rem3A_356, %mul3A_357 : i32
    %dma_wait3A_359 = arith.constant 5 : i32
    %dma_wait3A_360 = arith.constant 5 : i32
    %dma_wait3A_361 = arith.constant 0 : i32
    %dma_wait3A_362 = arith.constant 0 : i32
    %dma_wait3A_363 = tpu.memref_slice %arg6[%dma_wait3A_359, %dma_wait3A_361, %dma_wait3A_362] : memref<12x64x128xf32, #tpu.memory_space<vmem>> -> memref<1x64x128xf32, #tpu.memory_space<vmem>>
    %dma_wait3A_364 = tpu.memref_squeeze %dma_wait3A_363 : memref<1x64x128xf32, #tpu.memory_space<vmem>> -> memref<64x128xf32, #tpu.memory_space<vmem>>
    %dma_wait3A_365 = arith.constant 0 : i32
    %dma_wait3A_366 = tpu.memref_slice %arg4[%div3A_354, %mul3A_358, %dma_wait3A_365] : memref<500x1024x128xf32, #tpu.memory_space<hbm>> -> memref<1x64x128xf32, #tpu.memory_space<hbm>>
    %dma_wait3A_367 = tpu.memref_squeeze %dma_wait3A_366 : memref<1x64x128xf32, #tpu.memory_space<hbm>> -> memref<64x128xf32, #tpu.memory_space<hbm>>
    %dma_wait3A_368 = tpu.memref_slice %arg8[%dma_wait3A_360] : memref<12x!tpu.dma_semaphore, #tpu.memory_space<semaphore_mem>> -> memref<1x!tpu.dma_semaphore, #tpu.memory_space<semaphore_mem>>
    %dma_wait3A_369 = tpu.memref_squeeze %dma_wait3A_368 : memref<1x!tpu.dma_semaphore, #tpu.memory_space<semaphore_mem>> -> memref<!tpu.dma_semaphore, #tpu.memory_space<semaphore_mem>>
    %dma_wait3A_370 = arith.constant 0 : i32
    %dma_wait3A_371 = tpu.memref_slice %arg4[%div3A_354, %mul3A_358, %dma_wait3A_370] : memref<500x1024x128xf32, #tpu.memory_space<hbm>> -> memref<1x64x128xf32, #tpu.memory_space<hbm>>
    %dma_wait3A_372 = tpu.memref_squeeze %dma_wait3A_371 : memref<1x64x128xf32, #tpu.memory_space<hbm>> -> memref<64x128xf32, #tpu.memory_space<hbm>>
    %dma_wait3A_373 = arith.constant 0 : i32
    %dma_wait3A_374 = arith.constant 0 : i32
    %dma_wait3A_375 = tpu.memref_slice %arg6[%dma_wait3A_359, %dma_wait3A_373, %dma_wait3A_374] : memref<12x64x128xf32, #tpu.memory_space<vmem>> -> memref<1x64x128xf32, #tpu.memory_space<vmem>>
    %dma_wait3A_376 = tpu.memref_squeeze %dma_wait3A_375 : memref<1x64x128xf32, #tpu.memory_space<vmem>> -> memref<64x128xf32, #tpu.memory_space<vmem>>
    tpu.wait_dma2 semaphore(%dma_wait3A_369 : memref<!tpu.dma_semaphore, #tpu.memory_space<semaphore_mem>>) src(%dma_wait3A_376 : memref<64x128xf32, #tpu.memory_space<vmem>>) dst(%dma_wait3A_372 : memref<64x128xf32, #tpu.memory_space<hbm>>)
    %add3A_377 = arith.constant 246 : i32
    %add3A_378 = arith.addi %mul3A_2, %add3A_377 : i32
    %div3A_379 = arith.constant 16 : i32
    %div3A_380 = arith.divsi %add3A_378, %div3A_379 : i32
    %rem3A_381 = arith.constant 16 : i32
    %rem3A_382 = arith.remsi %add3A_378, %rem3A_381 : i32
    %mul3A_383 = arith.constant 64 : i32
    %mul3A_384 = arith.muli %rem3A_382, %mul3A_383 : i32
    %dma_wait3A_385 = arith.constant 6 : i32
    %dma_wait3A_386 = arith.constant 6 : i32
    %dma_wait3A_387 = arith.constant 0 : i32
    %dma_wait3A_388 = arith.constant 0 : i32
    %dma_wait3A_389 = tpu.memref_slice %arg6[%dma_wait3A_385, %dma_wait3A_387, %dma_wait3A_388] : memref<12x64x128xf32, #tpu.memory_space<vmem>> -> memref<1x64x128xf32, #tpu.memory_space<vmem>>
    %dma_wait3A_390 = tpu.memref_squeeze %dma_wait3A_389 : memref<1x64x128xf32, #tpu.memory_space<vmem>> -> memref<64x128xf32, #tpu.memory_space<vmem>>
    %dma_wait3A_391 = arith.constant 0 : i32
    %dma_wait3A_392 = tpu.memref_slice %arg4[%div3A_380, %mul3A_384, %dma_wait3A_391] : memref<500x1024x128xf32, #tpu.memory_space<hbm>> -> memref<1x64x128xf32, #tpu.memory_space<hbm>>
    %dma_wait3A_393 = tpu.memref_squeeze %dma_wait3A_392 : memref<1x64x128xf32, #tpu.memory_space<hbm>> -> memref<64x128xf32, #tpu.memory_space<hbm>>
    %dma_wait3A_394 = tpu.memref_slice %arg8[%dma_wait3A_386] : memref<12x!tpu.dma_semaphore, #tpu.memory_space<semaphore_mem>> -> memref<1x!tpu.dma_semaphore, #tpu.memory_space<semaphore_mem>>
    %dma_wait3A_395 = tpu.memref_squeeze %dma_wait3A_394 : memref<1x!tpu.dma_semaphore, #tpu.memory_space<semaphore_mem>> -> memref<!tpu.dma_semaphore, #tpu.memory_space<semaphore_mem>>
    %dma_wait3A_396 = arith.constant 0 : i32
    %dma_wait3A_397 = tpu.memref_slice %arg4[%div3A_380, %mul3A_384, %dma_wait3A_396] : memref<500x1024x128xf32, #tpu.memory_space<hbm>> -> memref<1x64x128xf32, #tpu.memory_space<hbm>>
    %dma_wait3A_398 = tpu.memref_squeeze %dma_wait3A_397 : memref<1x64x128xf32, #tpu.memory_space<hbm>> -> memref<64x128xf32, #tpu.memory_space<hbm>>
    %dma_wait3A_399 = arith.constant 0 : i32
    %dma_wait3A_400 = arith.constant 0 : i32
    %dma_wait3A_401 = tpu.memref_slice %arg6[%dma_wait3A_385, %dma_wait3A_399, %dma_wait3A_400] : memref<12x64x128xf32, #tpu.memory_space<vmem>> -> memref<1x64x128xf32, #tpu.memory_space<vmem>>
    %dma_wait3A_402 = tpu.memref_squeeze %dma_wait3A_401 : memref<1x64x128xf32, #tpu.memory_space<vmem>> -> memref<64x128xf32, #tpu.memory_space<vmem>>
    tpu.wait_dma2 semaphore(%dma_wait3A_395 : memref<!tpu.dma_semaphore, #tpu.memory_space<semaphore_mem>>) src(%dma_wait3A_402 : memref<64x128xf32, #tpu.memory_space<vmem>>) dst(%dma_wait3A_398 : memref<64x128xf32, #tpu.memory_space<hbm>>)
    %add3A_403 = arith.constant 247 : i32
    %add3A_404 = arith.addi %mul3A_2, %add3A_403 : i32
    %div3A_405 = arith.constant 16 : i32
    %div3A_406 = arith.divsi %add3A_404, %div3A_405 : i32
    %rem3A_407 = arith.constant 16 : i32
    %rem3A_408 = arith.remsi %add3A_404, %rem3A_407 : i32
    %mul3A_409 = arith.constant 64 : i32
    %mul3A_410 = arith.muli %rem3A_408, %mul3A_409 : i32
    %dma_wait3A_411 = arith.constant 7 : i32
    %dma_wait3A_412 = arith.constant 7 : i32
    %dma_wait3A_413 = arith.constant 0 : i32
    %dma_wait3A_414 = arith.constant 0 : i32
    %dma_wait3A_415 = tpu.memref_slice %arg6[%dma_wait3A_411, %dma_wait3A_413, %dma_wait3A_414] : memref<12x64x128xf32, #tpu.memory_space<vmem>> -> memref<1x64x128xf32, #tpu.memory_space<vmem>>
    %dma_wait3A_416 = tpu.memref_squeeze %dma_wait3A_415 : memref<1x64x128xf32, #tpu.memory_space<vmem>> -> memref<64x128xf32, #tpu.memory_space<vmem>>
    %dma_wait3A_417 = arith.constant 0 : i32
    %dma_wait3A_418 = tpu.memref_slice %arg4[%div3A_406, %mul3A_410, %dma_wait3A_417] : memref<500x1024x128xf32, #tpu.memory_space<hbm>> -> memref<1x64x128xf32, #tpu.memory_space<hbm>>
    %dma_wait3A_419 = tpu.memref_squeeze %dma_wait3A_418 : memref<1x64x128xf32, #tpu.memory_space<hbm>> -> memref<64x128xf32, #tpu.memory_space<hbm>>
    %dma_wait3A_420 = tpu.memref_slice %arg8[%dma_wait3A_412] : memref<12x!tpu.dma_semaphore, #tpu.memory_space<semaphore_mem>> -> memref<1x!tpu.dma_semaphore, #tpu.memory_space<semaphore_mem>>
    %dma_wait3A_421 = tpu.memref_squeeze %dma_wait3A_420 : memref<1x!tpu.dma_semaphore, #tpu.memory_space<semaphore_mem>> -> memref<!tpu.dma_semaphore, #tpu.memory_space<semaphore_mem>>
    %dma_wait3A_422 = arith.constant 0 : i32
    %dma_wait3A_423 = tpu.memref_slice %arg4[%div3A_406, %mul3A_410, %dma_wait3A_422] : memref<500x1024x128xf32, #tpu.memory_space<hbm>> -> memref<1x64x128xf32, #tpu.memory_space<hbm>>
    %dma_wait3A_424 = tpu.memref_squeeze %dma_wait3A_423 : memref<1x64x128xf32, #tpu.memory_space<hbm>> -> memref<64x128xf32, #tpu.memory_space<hbm>>
    %dma_wait3A_425 = arith.constant 0 : i32
    %dma_wait3A_426 = arith.constant 0 : i32
    %dma_wait3A_427 = tpu.memref_slice %arg6[%dma_wait3A_411, %dma_wait3A_425, %dma_wait3A_426] : memref<12x64x128xf32, #tpu.memory_space<vmem>> -> memref<1x64x128xf32, #tpu.memory_space<vmem>>
    %dma_wait3A_428 = tpu.memref_squeeze %dma_wait3A_427 : memref<1x64x128xf32, #tpu.memory_space<vmem>> -> memref<64x128xf32, #tpu.memory_space<vmem>>
    tpu.wait_dma2 semaphore(%dma_wait3A_421 : memref<!tpu.dma_semaphore, #tpu.memory_space<semaphore_mem>>) src(%dma_wait3A_428 : memref<64x128xf32, #tpu.memory_space<vmem>>) dst(%dma_wait3A_424 : memref<64x128xf32, #tpu.memory_space<hbm>>)
    %add3A_429 = arith.constant 248 : i32
    %add3A_430 = arith.addi %mul3A_2, %add3A_429 : i32
    %div3A_431 = arith.constant 16 : i32
    %div3A_432 = arith.divsi %add3A_430, %div3A_431 : i32
    %rem3A_433 = arith.constant 16 : i32
    %rem3A_434 = arith.remsi %add3A_430, %rem3A_433 : i32
    %mul3A_435 = arith.constant 64 : i32
    %mul3A_436 = arith.muli %rem3A_434, %mul3A_435 : i32
    %dma_wait3A_437 = arith.constant 8 : i32
    %dma_wait3A_438 = arith.constant 8 : i32
    %dma_wait3A_439 = arith.constant 0 : i32
    %dma_wait3A_440 = arith.constant 0 : i32
    %dma_wait3A_441 = tpu.memref_slice %arg6[%dma_wait3A_437, %dma_wait3A_439, %dma_wait3A_440] : memref<12x64x128xf32, #tpu.memory_space<vmem>> -> memref<1x64x128xf32, #tpu.memory_space<vmem>>
    %dma_wait3A_442 = tpu.memref_squeeze %dma_wait3A_441 : memref<1x64x128xf32, #tpu.memory_space<vmem>> -> memref<64x128xf32, #tpu.memory_space<vmem>>
    %dma_wait3A_443 = arith.constant 0 : i32
    %dma_wait3A_444 = tpu.memref_slice %arg4[%div3A_432, %mul3A_436, %dma_wait3A_443] : memref<500x1024x128xf32, #tpu.memory_space<hbm>> -> memref<1x64x128xf32, #tpu.memory_space<hbm>>
    %dma_wait3A_445 = tpu.memref_squeeze %dma_wait3A_444 : memref<1x64x128xf32, #tpu.memory_space<hbm>> -> memref<64x128xf32, #tpu.memory_space<hbm>>
    %dma_wait3A_446 = tpu.memref_slice %arg8[%dma_wait3A_438] : memref<12x!tpu.dma_semaphore, #tpu.memory_space<semaphore_mem>> -> memref<1x!tpu.dma_semaphore, #tpu.memory_space<semaphore_mem>>
    %dma_wait3A_447 = tpu.memref_squeeze %dma_wait3A_446 : memref<1x!tpu.dma_semaphore, #tpu.memory_space<semaphore_mem>> -> memref<!tpu.dma_semaphore, #tpu.memory_space<semaphore_mem>>
    %dma_wait3A_448 = arith.constant 0 : i32
    %dma_wait3A_449 = tpu.memref_slice %arg4[%div3A_432, %mul3A_436, %dma_wait3A_448] : memref<500x1024x128xf32, #tpu.memory_space<hbm>> -> memref<1x64x128xf32, #tpu.memory_space<hbm>>
    %dma_wait3A_450 = tpu.memref_squeeze %dma_wait3A_449 : memref<1x64x128xf32, #tpu.memory_space<hbm>> -> memref<64x128xf32, #tpu.memory_space<hbm>>
    %dma_wait3A_451 = arith.constant 0 : i32
    %dma_wait3A_452 = arith.constant 0 : i32
    %dma_wait3A_453 = tpu.memref_slice %arg6[%dma_wait3A_437, %dma_wait3A_451, %dma_wait3A_452] : memref<12x64x128xf32, #tpu.memory_space<vmem>> -> memref<1x64x128xf32, #tpu.memory_space<vmem>>
    %dma_wait3A_454 = tpu.memref_squeeze %dma_wait3A_453 : memref<1x64x128xf32, #tpu.memory_space<vmem>> -> memref<64x128xf32, #tpu.memory_space<vmem>>
    tpu.wait_dma2 semaphore(%dma_wait3A_447 : memref<!tpu.dma_semaphore, #tpu.memory_space<semaphore_mem>>) src(%dma_wait3A_454 : memref<64x128xf32, #tpu.memory_space<vmem>>) dst(%dma_wait3A_450 : memref<64x128xf32, #tpu.memory_space<hbm>>)
    %add3A_455 = arith.constant 249 : i32
    %add3A_456 = arith.addi %mul3A_2, %add3A_455 : i32
    %div3A_457 = arith.constant 16 : i32
    %div3A_458 = arith.divsi %add3A_456, %div3A_457 : i32
    %rem3A_459 = arith.constant 16 : i32
    %rem3A_460 = arith.remsi %add3A_456, %rem3A_459 : i32
    %mul3A_461 = arith.constant 64 : i32
    %mul3A_462 = arith.muli %rem3A_460, %mul3A_461 : i32
    %dma_wait3A_463 = arith.constant 9 : i32
    %dma_wait3A_464 = arith.constant 9 : i32
    %dma_wait3A_465 = arith.constant 0 : i32
    %dma_wait3A_466 = arith.constant 0 : i32
    %dma_wait3A_467 = tpu.memref_slice %arg6[%dma_wait3A_463, %dma_wait3A_465, %dma_wait3A_466] : memref<12x64x128xf32, #tpu.memory_space<vmem>> -> memref<1x64x128xf32, #tpu.memory_space<vmem>>
    %dma_wait3A_468 = tpu.memref_squeeze %dma_wait3A_467 : memref<1x64x128xf32, #tpu.memory_space<vmem>> -> memref<64x128xf32, #tpu.memory_space<vmem>>
    %dma_wait3A_469 = arith.constant 0 : i32
    %dma_wait3A_470 = tpu.memref_slice %arg4[%div3A_458, %mul3A_462, %dma_wait3A_469] : memref<500x1024x128xf32, #tpu.memory_space<hbm>> -> memref<1x64x128xf32, #tpu.memory_space<hbm>>
    %dma_wait3A_471 = tpu.memref_squeeze %dma_wait3A_470 : memref<1x64x128xf32, #tpu.memory_space<hbm>> -> memref<64x128xf32, #tpu.memory_space<hbm>>
    %dma_wait3A_472 = tpu.memref_slice %arg8[%dma_wait3A_464] : memref<12x!tpu.dma_semaphore, #tpu.memory_space<semaphore_mem>> -> memref<1x!tpu.dma_semaphore, #tpu.memory_space<semaphore_mem>>
    %dma_wait3A_473 = tpu.memref_squeeze %dma_wait3A_472 : memref<1x!tpu.dma_semaphore, #tpu.memory_space<semaphore_mem>> -> memref<!tpu.dma_semaphore, #tpu.memory_space<semaphore_mem>>
    %dma_wait3A_474 = arith.constant 0 : i32
    %dma_wait3A_475 = tpu.memref_slice %arg4[%div3A_458, %mul3A_462, %dma_wait3A_474] : memref<500x1024x128xf32, #tpu.memory_space<hbm>> -> memref<1x64x128xf32, #tpu.memory_space<hbm>>
    %dma_wait3A_476 = tpu.memref_squeeze %dma_wait3A_475 : memref<1x64x128xf32, #tpu.memory_space<hbm>> -> memref<64x128xf32, #tpu.memory_space<hbm>>
    %dma_wait3A_477 = arith.constant 0 : i32
    %dma_wait3A_478 = arith.constant 0 : i32
    %dma_wait3A_479 = tpu.memref_slice %arg6[%dma_wait3A_463, %dma_wait3A_477, %dma_wait3A_478] : memref<12x64x128xf32, #tpu.memory_space<vmem>> -> memref<1x64x128xf32, #tpu.memory_space<vmem>>
    %dma_wait3A_480 = tpu.memref_squeeze %dma_wait3A_479 : memref<1x64x128xf32, #tpu.memory_space<vmem>> -> memref<64x128xf32, #tpu.memory_space<vmem>>
    tpu.wait_dma2 semaphore(%dma_wait3A_473 : memref<!tpu.dma_semaphore, #tpu.memory_space<semaphore_mem>>) src(%dma_wait3A_480 : memref<64x128xf32, #tpu.memory_space<vmem>>) dst(%dma_wait3A_476 : memref<64x128xf32, #tpu.memory_space<hbm>>)
    return
  }
}

</mosaic_0001>

<sc_bundles>
// kernel: kernel.3.cloned.1.call-start
scs
__scs_entry_jumppad:
0x0: {  	(pc) =	sbr.rel $0x88, $3  }
0x1: {  	(tag) =	ssettag $0x0;
	lr =	simm.s32 $0x1  }
0x2: {  	[smem:$0x3F9F] =	sst lr;
	_ =	strace $0xD0000000  }
0x3: {  	_ = 	snop  }
0x4: {  	_ = 	snop  }
0x5: {  	_ = 	snop  }
0x6: {  	_ = 	snop  }
0x7: {  	_ = 	snop  }
__scs_overlays_trampoline_lowered:
0x8: {  	[smem:$0x3FAE] =	sst s0  }
0x9: {  	[smem:$0x3FAF] =	sst s1  }
0xa: {  	[smem:$0x3FB0] =	sst s2  }
0xb: {  	[smem:$0x3FB1] =	sst s3  }
0xc: {  	[smem:$0x3FB2] =	sst s4  }
0xd: {  	[smem:$0x3FB3] =	sst s5  }
0xe: {  	[smem:$0x3FB4] =	sst s6  }
0xf: {  	[smem:$0x3FB5] =	sst s7  }
0x10: {  	[smem:$0x3FB6] =	sst s8  }
0x11: {  	[smem:$0x3FB7] =	sst s9;
	s0 =	simm.s32 @!p0 $0x0  }
0x12: {  	s1 =	sld [smem:$0x3F9D];
	s0 =	simm.s32 @p0 $0x1  }
0x13: {  	[smem:$0x3FB8] =	sst s0;
	s0 =	simm.s32 @!p1 $0x0  }
0x14: {  	s2 =	sld [smem:$0x3F9C];
	s0 =	simm.s32 @p1 $0x1  }
0x15: {  	[smem:$0x3FB9] =	sst s0;
	s0 =	simm.s32 @!p2 $0x0  }
0x16: {  	s3 =	sld [smem:$0x3FDB];
	s0 =	simm.s32 @p2 $0x1  }
0x17: {  	s4 =	simm.s32 $0x1BF5;
	[smem:$0x3FBB] =	sst s0  }
0x18: {  	s0 =	sld [smem:$0x3F9E];
	_ =	swait.ge [sflag:s4], $0x0  }
0x19: {  	s7 =	sld [smem:$0x3F9F]  }
0x1a: {  	s8 =	sadd.s32 $0xFFFFE003, lr  }
0x1b: {  	s9 =	sadd.s32 $0xFFFFFEF7, lr;
	s5 =	simm.s32 $0xFFFFFFFF;
	p2 =	slt.u32 s8, $0xFFFFF086  }
0x1c: {  	p1 =	slt.u32 s9, $0xF7A;
	s5 =	simm.s32 @!p2 $0x0  }
0x1d: {  	s5 =	simm.s32 @p1 $0x1;
	p0 =	seq.s32 s7, s2  }
0x1e: {  	s7 =	smul.u32 @!p0 $0xF7A, s2;
	p2 =	seq.s32 @!p0 s5, $0x0  }
0x1f: {  	s9 =	smul.u32 $0xF7A, s1;
	s8 =	simm.s32 @!p0 $0x1BF5;
	p2 =	por !p2, p0  }
0x20: {  	[sflag:s8] =	ssyncset.s32 @!p0 $0xFFFFF086;
	s6 =	sadd.s32 @!p0 s3, s7;
	s7 =	simm.s32 @!p0 $0x108  }
0x21: {  	s3 =	sadd.s32 s3, s9;
	s6 =	sadd.s32 @!p0 $0x88, s6;
	s7 =	simm.s32 @p2 $0x1082  }
0x22: {  	[simem:s7], [sflag:s8] =	dma.local @!p0 [hbm:s6], $0xF7A  }
0x23: {  	s9 =	sor.u32 $0xD0000000, s2;
	s6 =	simm.s32 $0x108;
	_ =	swait.ge @!p0 [sflag:s8], $0x0  }
0x24: {  	s3 =	sadd.s32 $0x88, s3;
	s6 =	simm.s32 @!p1 $0x1082;
	[sflag:s4] =	ssyncset.s32 $0xFFFFF086  }
0x25: {  	[simem:s6], [sflag:s4] =	dma.local [hbm:s3], $0xF7A  }
0x26: {  	[smem:$0x3F9F] =	sst s1;
	(tag) =	ssettag s2;
	_ =	strace s9  }
0x27: {  	s1 =	sld [smem:$0x3FAF]  }
0x28: {  	s2 =	sld [smem:$0x3FB0]  }
0x29: {  	s4 =	sld [smem:$0x3FB2]  }
0x2a: {  	p0 =	seq.s32 s5, $0x0;
	s5 =	sld [smem:$0x3FB3]  }
0x2b: {  	s6 =	sld [smem:$0x3FB4]  }
0x2c: {  	s7 =	sld [smem:$0x3FB5]  }
0x2d: {  	s3 =	simm.s32 $0x108;
	s8 =	sld [smem:$0x3FB6]  }
0x2e: {  	s3 =	simm.s32 @!p0 $0x1082;
	s9 =	sld [smem:$0x3FB7]  }
0x2f: {  	lr =	sadd.s32 s0, s3;
	s0 =	sld [smem:$0x3FAE]  }
0x30: {  	s3 =	sld [smem:$0x3FB1]  }
0x31: {  	[smem:$0x3FBA] =	sst s10  }
0x32: {  	s10 =	sld [smem:$0x3FB8];
	_ =	sdelay $0x3  }
0x33: {  	p0 =	seq.s32 s10, $0x1;
	s10 =	sld [smem:$0x3FBA];
	_ =	sdelay $0x3  }
0x34: {  	[smem:$0x3FBA] =	sst s10  }
0x35: {  	s10 =	sld [smem:$0x3FB9];
	_ =	sdelay $0x3  }
0x36: {  	p1 =	seq.s32 s10, $0x1;
	s10 =	sld [smem:$0x3FBA];
	_ =	sdelay $0x3  }
0x37: {  	[smem:$0x3FBA] =	sst s10  }
0x38: {  	s10 =	sld [smem:$0x3FBB]  }
0x39: {  	_ = 	snop;
	(pc) =	sbr.ind lr, $3  }
0x3a: {  	_ = 	snop  }
0x3b: {  	_ = 	snop  }
0x3c: {  	p2 =	seq.s32 s10, $0x1;
	s10 =	sld [smem:$0x3FBA]  }
0x3d: {  	_ =	shalt  }
0x3e: {  	_ =	shalt  }
0x3f: {  	_ =	shalt  }
0x40: {  	_ =	shalt  }
0x41: {  	_ =	shalt  }
0x42: {  	_ =	shalt  }
0x43: {  	_ =	shalt  }
0x44: {  	_ =	shalt  }
0x45: {  	_ =	shalt  }
0x46: {  	_ =	shalt  }
0x47: {  	_ =	shalt  }
0x48: {  	_ =	shalt  }
0x49: {  	_ =	shalt  }
0x4a: {  	_ =	shalt  }
0x4b: {  	_ =	shalt  }
0x4c: {  	_ =	shalt  }
0x4d: {  	_ =	shalt  }
0x4e: {  	_ =	shalt  }
0x4f: {  	_ =	shalt  }
0x50: {  	_ =	shalt  }
0x51: {  	_ =	shalt  }
0x52: {  	_ =	shalt  }
0x53: {  	_ =	shalt  }
0x54: {  	_ =	shalt  }
0x55: {  	_ =	shalt  }
0x56: {  	_ =	shalt  }
0x57: {  	_ =	shalt  }
0x58: {  	_ =	shalt  }
0x59: {  	_ =	shalt  }
0x5a: {  	_ =	shalt  }
0x5b: {  	_ =	shalt  }
0x5c: {  	_ =	shalt  }
0x5d: {  	_ =	shalt  }
0x5e: {  	_ =	shalt  }
0x5f: {  	_ =	shalt  }
0x60: {  	_ =	shalt  }
0x61: {  	_ =	shalt  }
0x62: {  	_ =	shalt  }
0x63: {  	_ =	shalt  }
0x64: {  	_ =	shalt  }
0x65: {  	_ =	shalt  }
0x66: {  	_ =	shalt  }
0x67: {  	_ =	shalt  }
0x68: {  	_ =	shalt  }
0x69: {  	_ =	shalt  }
0x6a: {  	_ =	shalt  }
0x6b: {  	_ =	shalt  }
0x6c: {  	_ =	shalt  }
0x6d: {  	_ =	shalt  }
0x6e: {  	_ =	shalt  }
0x6f: {  	_ =	shalt  }
0x70: {  	_ =	shalt  }
0x71: {  	_ =	shalt  }
0x72: {  	_ =	shalt  }
0x73: {  	_ =	shalt  }
0x74: {  	_ =	shalt  }
0x75: {  	_ =	shalt  }
0x76: {  	_ =	shalt  }
0x77: {  	_ =	shalt  }
0x78: {  	_ =	shalt  }
0x79: {  	_ =	shalt  }
0x7a: {  	_ =	shalt  }
0x7b: {  	_ =	shalt  }
0x7c: {  	_ =	shalt  }
0x7d: {  	_ =	shalt  }
0x7e: {  	_ =	shalt  }
0x7f: {  	_ =	shalt  }
0x80: {  	_ =	shalt  }
0x81: {  	_ =	shalt  }
0x82: {  	_ =	shalt  }
0x83: {  	_ =	shalt  }
0x84: {  	_ =	shalt  }
0x85: {  	_ =	shalt  }
0x86: {  	_ =	shalt  }
0x87: {  	_ =	shalt  }
.Lfunc_end0:
.L_simem_size_0:
called_computation_lowered:
.L_overlay_start_0:
0x88: {  	s2 =	sld [smem:$0x3FD9]  }
0x89: {  	s3 =	sld [smem:$0x3FFE];
	_ =	sdelay $0x1  }
0x8a: {  	s1 =	srdreg.scid  }
0x8b: {  	s0 =	sand.u32 $0x1, s1  }
0x8c: {  	s17 =	sshll.u32 s0, $0xA;
	s2 =	sadd.s32 s3, s2  }
0x8d: {  	s2 =	sadd.s32 s2, s17  }
0x8e: {  	[smem:$0x3FC6] =	sst s2  }
0x8f: {  	_ = 	snop  }
0x90: {  	s2 =	sld [smem:$0x3FC8]  }
0x91: {  	s18 =	sld [smem:$0x3FD0];
	(tm) =	ssettm $0x1  }
0x92: {  	s4 =	sld [smem:$0x3FFB];
	_ =	sdelay $0x3  }
0x93: {  	_ =	strace s4  }
0x94: {  	s4 =	sld [smem:$0x3FFC];
	_ =	sdelay $0x3  }
0x95: {  	_ =	strace s4  }
0x96: {  	s4 =	sld [smem:$0x3FFD];
	_ =	sdelay $0x3  }
0x97: {  	_ =	strace s4  }
0x98: {  	_ =	strace $0x8FFFFFFF  }
0x99: {  	s19 =	sld [smem:$0x3FDB];
	_ =	sdelay $0x1  }
0x9a: {  	s5 =	simm.s32 $_scs_section_size  }
0x9b: {  	s6 =	simm.s32 $_size__tile_overlayer_lowered;
	s7 =	simm.s32 $_tile_overlayer_lowered  }
0x9c: {  	s22 =	simm.s32 $0x1BFF;
	s21 =	sshll.u32 s7, $0x1;
	s4 =	sadd.s32 s5, s19  }
0x9d: {  	s8 =	simm.s32 $0x0;
	s20 =	sshll.u32 s6, $0x1;
	s6 =	sadd.s32 s21, s4  }
0x9e: {  	[timem:s8], [sflag:s22] =	dma.local [hbm:s6], s20  }
0x9f: {  	_ =	swait.ge [sflag:s22], s20  }
0xa0: {  	s5 =	ssub.s32 $0x0, s20;
	[sflag:s22] =	ssyncset.done $0x0  }
0xa1: {  	[sflag:s22] =	ssyncadd.s32 s5;
	_ =	sdelay $0x1  }
0xa2: {  	s23 =	simm.s32 $0x1B8B  }
0xa3: {  	_ =	swait.ge [sflag:s23], $0x1  }
0xa4: {  	[sflag:s23] =	ssyncset.done $0x0  }
0xa5: {  	s25 =	simm.s32 $0x1B8E;
	s24 =	sld [smem:$0x3FFE];
	[sflag:s23] =	ssyncadd.s32 $0xFFFFFFFF  }
0xa6: {  	s26 =	simm.s32 $execute0_lowered;
	[smem:$0x3FD2] =	sst s25  }
0xa7: {  	s6 =	sshll.u32 s26, $0x1;
	_ =	strace $0x80000046;
	[dreg:$0x1] =	wrdreg $0xFFFFFFFF  }
0xa8: {  	s28 =	simm.s32 $_size_execute0_lowered;
	s4 =	sadd.s32 s4, s6;
	[dreg:$0x0] =	wrdreg $0x0  }
0xa9: {  	s6 =	sshll.u32 s28, $0x1;
	[dreg:$0x2] =	wrdreg s4  }
0xaa: {  	[dreg:$0x3] =	wrdreg s6  }
0xab: {  	[dreg:$0x4] =	wrdreg $0xC0  }
0xac: {  	_ =	task [dreg:s8], $0x5FFFF  }
0xad: {  	[dreg:$0x1] =	wrdreg $0xFFFFFFFF  }
0xae: {  	[dreg:$0x0] =	wrdreg $0x60  }
0xaf: {  	[dreg:$0x2] =	wrdreg s2  }
0xb0: {  	[dreg:$0x3] =	wrdreg s24  }
0xb1: {  	[dreg:$0x4] =	wrdreg s18  }
0xb2: {  	[dreg:$0x5] =	wrdreg $0x9  }
0xb3: {  	_ =	task.clear_ibuf [dreg:s8], $0x6FFFF;
	_ =	strace $0x90000046  }
0xb4: {  	s29 =	simm.s32 $0x9;
	_ =	strace $0x80000048  }
0xb5: {  	_ =	swait.ge [sflag:s29], $0x1  }
0xb6: {  	[sflag:s29] =	ssyncadd.s32 $0xFFFFFFFF  }
0xb7: {  	_ =	strace $0x90000048  }
0xb8: {  	_ =	sfence  }
0xb9: {  	s30 =	sld [smem:$0x0];
	_ =	sdelay $0x2  }
0xba: {  	s31 =	sshll.u32 s1, $0xD;
	s1 =	sshrl.u32 s1, $0x2  }
0xbb: {  	s3 =	sand.u32 $0x4000, s31;
	s1 =	sadd.s32 s1, s30  }
0xbc: {  	s0 =	sor.u32 s3, s0;
	s1 =	sshll.u32 s1, $0x11  }
0xbd: {  	s0 =	sor.u32 s1, s0  }
0xbe: {  	s0 =	sadd.s32 $0x8F2B, s0  }
0xbf: {  	[sflag:s0] =	ssyncadd.remote.s32 $0x1  }
0xc0: {  	_ =	sfence.sel $0xFFFF  }
0xc1: {  	[dreg:$0x0] =	wrdreg $0xFFFFFFFF;
	(pc) =	sbr.abs _section_cstart, $3  }
0xc2: {  	[dreg:$0x1] =	wrdreg $0xFFFFFFFF  }
0xc3: {  	_ =	task.clear_ibuf [dreg:s8], $0x2FFFF;
	_ =	strace $0x9FFFFFFF  }
0xc4: {  	(tm) =	ssettm $0x7FFFFFFF  }
0xc5: {  	_ =	shalt  }
tec
execute0_lowered:
.L_overlay_start_1:
0x0: {  	(tag) =	ssettag $0x1  }
0x1: {  	s1 =	rddreg [dreg:$0x0]  }
0x2: {  	s0 =	rddreg [dreg:$0x1]  }
0x3: {  	s2 =	rddreg [dreg:$0x2];
	s3 =	simm.s32 $0x0;
	s4 =	srdreg.scid  }
0x4: {  	s8 =	stileid.u32;
	s31 =	simm.s32 $0x17;
	s10 =	simm.s32 $0xF  }
0x5: {  	s11 =	simm.s32 $0x10;
	s12 =	simm.s32 $0x11;
	s13 =	simm.s32 $0x12  }
0x6: {  	s14 =	simm.s32 $0x13;
	s15 =	simm.s32 $0x14;
	s16 =	simm.s32 $0x15  }
0x7: {  	s17 =	simm.s32 $0x16;
	s18 =	simm.s32 $0x0;
	[smem:$0x7FF] =	sst s3  }
0x8: {  	s4 =	sand.u32 $0x1, s4;
	s5 =	sshll.u32 s8, $0xD;
	s8 =	smul.u32 $0x7D000, s8  }
0x9: {  	_ =	strace $0x80000047;
	s6 =	sshll.u32 s4, $0xC;
	s7 =	ssub.s32 $0x2, s4  }
0xa: {  	s9 =	smul.u32 $0x3E800, s4;
	s5 =	sor.u32 s6, s5;
	s28 =	sshrl.u32 s7, $0x1  }
0xb: {  	s2 =	sadd.s32 s8, s2;
	s8 =	simm.s32 $0x40;
	s0 =	sadd.s32 s5, s0  }
0xc: {  	s29 =	ssub.s32 s7, s28;
	s21 =	sadd.s32 s9, s2;
	s0 =	sadd.s32 $0x400, s0  }
0xd: {  	s2 =	simm.s32 $0xD;
	s30 =	smax.u32 s29, $0x1;
	[dreg:$0x4] =	wrdreg s0  }
0xe: {  	s9 =	simm.s32 $0xE;
	[dreg:$0x5] =	wrdreg s30;
	s0 =	simm.s32 $0x18  }
.LBB2_1:
0xf: {  	s4 =	rddreg [dreg:$0x4];
	s20 =	simm.s32 $0x19  }
0x10: {  	[tilespmem:s3], [sflag:$0x19] =	stream.linear.gather [hbm4b:s4+s3], $0x7D00, $0x38;
	v63 =	vld [tilespmem:$0x0]  }
0x11: {  	_ =	swait.ge [sflag:s20], $0x7D00  }
0x12: {  	[sflag:s20] =	ssyncset.done $0x0  }
0x13: {  	s22 =	simm.s32 $0x8000;
	[sflag:s20] =	ssyncadd.s32 $0xFFFF8300  }
0x14: {  	[tilespmem:s22], [sflag:$0x1] =	stream.indirect.gather [hbm4b:s1+s8], $0x80, s3, s8, $0xb8;
	v63 =	vld [tilespmem:$0x0]  }
0x15: {  	s23 =	simm.s32 $0x80;
	s5 =	simm.s32 $0xA000  }
0x16: {  	[tilespmem:s5], [sflag:$0x2] =	stream.indirect.gather [hbm4b:s1+s8], $0x80, s23, s8, $0xb8;
	v63 =	vld [tilespmem:$0x0]  }
0x17: {  	s24 =	simm.s32 $0x100;
	s25 =	simm.s32 $0xC000;
	s26 =	simm.s32 $0x180  }
0x18: {  	[tilespmem:s25], [sflag:$0x3] =	stream.indirect.gather [hbm4b:s1+s8], $0x80, s24, s8, $0xb8;
	v63 =	vld [tilespmem:$0x0]  }
0x19: {  	s28 =	simm.s32 $0xE000;
	s29 =	simm.s32 $0x200;
	p0 =	por $0x0, $0x0  }
0x1a: {  	[tilespmem:s28], [sflag:$0x4] =	stream.indirect.gather [hbm4b:s1+s8], $0x80, s26, s8, $0xb8;
	v63 =	vld [tilespmem:$0x0]  }
0x1b: {  	s30 =	simm.s32 $0x10000;
	s6 =	simm.s32 $0x280;
	p1 =	por @!p0 $0x1, $0x1  }
0x1c: {  	[tilespmem:s30], [sflag:$0x5] =	stream.indirect.gather [hbm4b:s1+s8], $0x80, s29, s8, $0xb8;
	v63 =	vld [tilespmem:$0x0]  }
0x1d: {  	s7 =	simm.s32 $0x12000;
	s19 =	simm.s32 $0x300;
	p1 =	por p1, p0  }
0x1e: {  	[tilespmem:s7], [sflag:$0x6] =	stream.indirect.gather [hbm4b:s1+s8], $0x80, s6, s8, $0xb8;
	v63 =	vld [tilespmem:$0x0]  }
0x1f: {  	s20 =	simm.s32 $0x14000;
	s22 =	simm.s32 $0x380;
	s6 =	smul.u32 $0xAB, s3  }
0x20: {  	[tilespmem:s20], [sflag:$0x7] =	stream.indirect.gather [hbm4b:s1+s8], $0x80, s19, s8, $0xb8;
	v63 =	vld [tilespmem:$0x0]  }
0x21: {  	s23 =	simm.s32 $0x16000;
	s6 =	sshrl.u32 s6, $0xB;
	s19 =	simm.s32 $0xB  }
0x22: {  	s24 =	simm.s32 $0x400;
	s6 =	sand.u32 $0x1F, s6;
	s19 =	smul.u32 $0xAAAB, s19  }
0x23: {  	[tilespmem:s23], [sflag:$0x8] =	stream.indirect.gather [hbm4b:s1+s8], $0x80, s22, s8, $0xb8;
	v63 =	vld [tilespmem:$0x0]  }
0x24: {  	s25 =	simm.s32 $0x18000;
	s26 =	simm.s32 $0x480;
	s6 =	smul.u32 $0xC, s6  }
0x25: {  	[tilespmem:s25], [sflag:$0x9] =	stream.indirect.gather [hbm4b:s1+s8], $0x80, s24, s8, $0xb8;
	v63 =	vld [tilespmem:$0x0]  }
0x26: {  	s28 =	simm.s32 $0x1A000;
	s29 =	simm.s32 $0x500;
	s6 =	ssub.s32 $0x0, s6  }
0x27: {  	s30 =	simm.s32 $0x1C000;
	s20 =	sshrl.u32 s19, $0x13;
	s6 =	sand.u32 $0xFF, s6  }
0x28: {  	[tilespmem:s28], [sflag:$0xA] =	stream.indirect.gather [hbm4b:s1+s8], $0x80, s26, s8, $0xb8;
	v63 =	vld [tilespmem:$0x0]  }
0x29: {  	s19 =	simm.s32 $0x580;
	s22 =	smul.u32 $0xC, s20;
	s23 =	sadd.s32 $0x1, s6  }
0x2a: {  	[tilespmem:s30], [sflag:$0xB] =	stream.indirect.gather [hbm4b:s1+s8], $0x80, s29, s8, $0xb8;
	v63 =	vld [tilespmem:$0x0]  }
0x2b: {  	s20 =	simm.s32 $0x1;
	s24 =	sshll.u32 s6, $0xD;
	_ =	swait.ge [sflag:s23], $0x2000  }
0x2c: {  	s22 =	ssub.s32 $0xB, s22;
	s6 =	sadd.s32 $0xD, s6;
	[sflag:s23] =	ssyncset.done $0x0  }
0x2d: {  	s24 =	sadd.s32 $0x8000, s24;
	[sflag:s23] =	ssyncadd.s32 $0xFFFFE000;
	s23 =	sand.u32 $0xFFFF, s22  }
0x2e: {  	[hbm4b:s21+s3] =	stream.linear.scatter [tilespmem:s24], [sflag:s6], $0x2000, $0x38;
	v63 =	vld [tilespmem:$0x0]  }
0x2f: {  	s26 =	smul.u32 $0xAB, s20;
	s22 =	simm.s32 $0x2;
	s6 =	sshll.u32 @!p0 s23, $0xD  }
0x30: {  	s25 =	sadd.s32 @!p1 $0xD, s23;
	s24 =	sadd.s32 @!p0 $0x8000, s6;
	s6 =	smov.u32 s21  }
.LBB2_2:
0x31: {  	s6 =	sadd.s32 $0x400, s6;
	s28 =	smov.u32 s22;
	s22 =	sadd.s32 $0x1, s22  }
0x32: {  	s29 =	smov.u32 s19;
	s19 =	sadd.s32 $0x80, s19;
	p3 =	por p0, p0  }
0x33: {  	s30 =	sadd.s32 $0xB, s20;
	p2 =	sne.s32 s22, $0xFA;
	s26 =	sshrl.u32 s26, $0xB  }
0x34: {  	s4 =	smul.u32 $0xAAAB, s30;
	s26 =	sand.u32 $0x1F, s26  }
0x35: {  	p0 =	sgt.u32 s20, $0xEE;
	s26 =	smul.u32 $0xC, s26  }
0x36: {  	s5 =	simm.s32 @!p3 $0x40;
	s23 =	sadd.s32 @!p3 $0x1, s23;
	s4 =	sshrl.u32 s4, $0x13  }
0x37: {  	s4 =	smul.u32 $0xC, s4;
	s26 =	ssub.s32 s20, s26;
	_ =	swait.ge @!p1 [sflag:s25], $0x2000  }
0x38: {  	s26 =	sand.u32 $0xFF, s26;
	[sflag:s25] =	ssyncset.done @!p1 $0x0  }
0x39: {  	s4 =	ssub.s32 s30, s4;
	s7 =	sadd.s32 $0x1, s26;
	[sflag:s25] =	ssyncadd.s32 @!p1 $0xFFFFE000  }
0x3a: {  	[tilespmem:s24], [sflag:s23] =	stream.indirect.gather @!p3 [hbm4b:s1+s5], $0x80, s29, s5, $0xb8;
	v63 =	vld [tilespmem:$0x0]  }
0x3b: {  	s5 =	sshll.u32 s26, $0xD;
	s24 =	sadd.s32 $0xD, s26;
	_ =	swait.ge [sflag:s7], $0x2000  }
.Ltmp0:
0x3c: {  	s5 =	sadd.s32 $0x8000, s5;
	[sflag:s7] =	ssyncset.done $0x0;
	(pc) =	sbr.rel @p2 .LBB2_2-.Ltmp0, $4  }
0x3d: {  	p1 =	seq.s32 @!p0 s20, $0x0;
	s23 =	sand.u32 $0xFFFF, s4;
	[sflag:s7] =	ssyncadd.s32 $0xFFFFE000  }
0x3e: {  	[hbm4b:s6+s3] =	stream.linear.scatter [tilespmem:s5], [sflag:s24], $0x2000, $0x38;
	v63 =	vld [tilespmem:$0x0]  }
0x3f: {  	s20 =	smov.u32 s28;
	p1 =	por p1, p0;
	s4 =	sshll.u32 @!p0 s23, $0xD  }
0x40: {  	s26 =	smul.u32 $0xAB, s20;
	s25 =	sadd.s32 @!p1 $0xD, s23;
	s24 =	sadd.s32 @!p0 $0x8000, s4  }
0x41: {  	_ = 	snop  }
0x42: {  	_ =	swait.ge @!p1 [sflag:s25], $0x2000;
	p0 =	por p0, p0;
	s4 =	sshrl.u32 s26, $0xB  }
0x43: {  	[sflag:s25] =	ssyncset.done @!p1 $0x0;
	s5 =	simm.s32 @!p0 $0x40;
	s4 =	sand.u32 $0x1F, s4  }
0x44: {  	s7 =	sadd.s32 @!p0 $0x1, s23;
	[sflag:s25] =	ssyncadd.s32 @!p1 $0xFFFFE000;
	s4 =	smul.u32 $0xC, s4  }
0x45: {  	[tilespmem:s24], [sflag:s7] =	stream.indirect.gather @!p0 [hbm4b:s1+s5], $0x80, s19, s5, $0xb8;
	v63 =	vld [tilespmem:$0x0]  }
0x46: {  	s4 =	ssub.s32 s20, s4  }
0x47: {  	s26 =	sadd.s32 $0xB, s20;
	s4 =	sand.u32 $0xFF, s4  }
0x48: {  	s28 =	smul.u32 $0xAAAB, s26;
	s25 =	sadd.s32 $0x1, s4  }
0x49: {  	s6 =	sadd.s32 $0x400, s6;
	_ =	swait.ge [sflag:s25], $0x2000  }
0x4a: {  	s29 =	sshrl.u32 s28, $0x13;
	s22 =	sshll.u32 s4, $0xD;
	[sflag:s25] =	ssyncset.done $0x0  }
0x4b: {  	s4 =	sadd.s32 $0xD, s4;
	s22 =	sadd.s32 $0x8000, s22;
	[sflag:s25] =	ssyncadd.s32 $0xFFFFE000  }
0x4c: {  	[hbm4b:s6+s3] =	stream.linear.scatter [tilespmem:s22], [sflag:s4], $0x2000, $0x38;
	v63 =	vld [tilespmem:$0x0]  }
0x4d: {  	s4 =	smul.u32 $0xC, s29  }
0x4e: {  	p0 =	sgt.u32 s20, $0xEE  }
0x4f: {  	p1 =	seq.s32 @!p0 s20, $0x0;
	s4 =	ssub.s32 s26, s4  }
0x50: {  	p1 =	por p1, p0;
	s4 =	sand.u32 $0xFFFF, s4  }
0x51: {  	s5 =	sadd.s32 @!p1 $0xD, s4  }
0x52: {  	s6 =	sadd.s32 $0x80, s19;
	s7 =	sshll.u32 @!p0 s4, $0xD;
	_ =	swait.ge @!p1 [sflag:s5], $0x2000  }
0x53: {  	s7 =	sadd.s32 @!p0 $0x8000, s7;
	p0 =	por p0, p0;
	[sflag:s5] =	ssyncset.done @!p1 $0x0  }
0x54: {  	s4 =	sadd.s32 @!p0 $0x1, s4;
	[sflag:s5] =	ssyncadd.s32 @!p1 $0xFFFFE000;
	s5 =	simm.s32 @!p0 $0x40  }
0x55: {  	[tilespmem:s7], [sflag:s4] =	stream.indirect.gather @!p0 [hbm4b:s1+s5], $0x80, s6, s5, $0xb8;
	v63 =	vld [tilespmem:$0x0]  }
0x56: {  	_ =	swait.ge [sflag:s31], $0x2000  }
0x57: {  	[sflag:s31] =	ssyncset.done $0x0  }
0x58: {  	[sflag:s31] =	ssyncadd.s32 $0xFFFFE000  }
0x59: {  	_ =	swait.ge [sflag:s0], $0x2000  }
0x5a: {  	[sflag:s0] =	ssyncset.done $0x0  }
0x5b: {  	[sflag:s0] =	ssyncadd.s32 $0xFFFFE000  }
0x5c: {  	_ =	swait.ge [sflag:s2], $0x2000  }
0x5d: {  	[sflag:s2] =	ssyncset.done $0x0  }
0x5e: {  	[sflag:s2] =	ssyncadd.s32 $0xFFFFE000  }
0x5f: {  	_ =	swait.ge [sflag:s9], $0x2000  }
0x60: {  	[sflag:s9] =	ssyncset.done $0x0  }
0x61: {  	[sflag:s9] =	ssyncadd.s32 $0xFFFFE000  }
0x62: {  	_ =	swait.ge [sflag:s10], $0x2000  }
0x63: {  	[sflag:s10] =	ssyncset.done $0x0  }
0x64: {  	[sflag:s10] =	ssyncadd.s32 $0xFFFFE000  }
0x65: {  	_ =	swait.ge [sflag:s11], $0x2000  }
0x66: {  	[sflag:s11] =	ssyncset.done $0x0  }
0x67: {  	[sflag:s11] =	ssyncadd.s32 $0xFFFFE000  }
0x68: {  	_ =	swait.ge [sflag:s12], $0x2000  }
0x69: {  	[sflag:s12] =	ssyncset.done $0x0  }
0x6a: {  	[sflag:s12] =	ssyncadd.s32 $0xFFFFE000  }
0x6b: {  	_ =	swait.ge [sflag:s13], $0x2000  }
0x6c: {  	[sflag:s13] =	ssyncset.done $0x0  }
0x6d: {  	[sflag:s13] =	ssyncadd.s32 $0xFFFFE000  }
0x6e: {  	_ =	swait.ge [sflag:s14], $0x2000  }
0x6f: {  	[sflag:s14] =	ssyncset.done $0x0  }
0x70: {  	[sflag:s14] =	ssyncadd.s32 $0xFFFFE000  }
0x71: {  	_ =	swait.ge [sflag:s15], $0x2000  }
0x72: {  	[sflag:s15] =	ssyncset.done $0x0  }
0x73: {  	[sflag:s15] =	ssyncadd.s32 $0xFFFFE000  }
0x74: {  	_ =	swait.ge [sflag:s16], $0x2000  }
0x75: {  	[sflag:s16] =	ssyncset.done $0x0  }
0x76: {  	[sflag:s16] =	ssyncadd.s32 $0xFFFFE000  }
0x77: {  	_ =	swait.ge [sflag:s17], $0x2000  }
0x78: {  	s18 =	sadd.s32 $0x1, s18;
	s30 =	rddreg [dreg:$0x5]  }
0x79: {  	p0 =	sne.s32 s18, s30  }
.Ltmp1:
0x7a: {  	_ = 	snop;
	(pc) =	sbr.rel @p0 .LBB2_1-.Ltmp1, $3  }
0x7b: {  	_ =	sdelay $0x1  }
0x7c: {  	[sflag:s17] =	ssyncset.done $0x0  }
0x7d: {  	[sflag:s17] =	ssyncadd.s32 $0xFFFFE000  }
0x7e: {  	_ =	sfence.sel $0x180000  }
0x7f: {  	[bflag:$0x0] =	sbarrier.arrive $0xFFFF  }
0x80: {  	_ =	strace $0x90000047  }
0x81: {  	s0 =	stileid.u32;
	[bflag:$0x2] =	sbarrier.arrive $0xFFFF  }
0x82: {  	p0 =	sne.s32 s0, $0x0;
	s0 =	rddreg [dreg:$0x3]  }
0x83: {  	s0 =	sadd.s32 @!p0 $0x100000, s0  }
0x84: {  	[sflag:s0] =	ssyncadd.tile.s32 @!p0 $0x1;
	_ =	shalt  }
.Lfunc_end2:
_tile_overlayer_lowered:
.L_overlay_start_2:
0x85: {  	(tag) =	ssettag $0x2  }
0x86: {  	s0 =	rddreg [dreg:$0x0];
	s2 =	stileid.u32  }
0x87: {  	s1 =	rddreg [dreg:$0x1];
	p0 =	sne.s32 s2, $0x0  }
0x88: {  	s3 =	rddreg [dreg:$0x2];
	[bflag:$0x3] =	sbarrier.arrive $0xFFFF;
	s2 =	simm.s32 @!p0 $0x1C19  }
0x89: {  	[timem:s3], [sflag:s2] =	dma.local @!p0 [hbm:s0], s1  }
0x8a: {  	s0 =	simm.s32 @!p0 $0x19  }
0x8b: {  	_ =	swait.ge @!p0 [sflag:s0], s1  }
0x8c: {  	s1 =	ssub.s32 @!p0 $0x0, s1;
	[sflag:s0] =	ssyncset.done @!p0 $0x0  }
0x8d: {  	[sflag:s0] =	ssyncadd.s32 @!p0 s1  }
0x8e: {  	[bflag:$0x3] =	sbarrier.arrive $0xFFFF  }
0x8f: {  	_ =	shalt  }

</sc_bundles>
